<compile_context>
chip_gen: v7x
topology: tpu7x:2x2x1
jax: 0.10.2.dev20260603
libtpu: 0.0.44.dev20260713+nightly
codegen_flags: <defaults>
</compile_context>

<pallas_src>
import functools

import jax
import jax.numpy as jnp
from jax import lax
from jax.experimental import pallas as pl
from jax.experimental.pallas import tpu as pltpu
from jax.experimental.pallas import tpu_sc as plsc

N_NODES = 10000
N_EDGES = 320000
D = 128

NC = 2
NS = 16
NW = NC * NS
CH = 64
NCHT = N_EDGES // CH
NPAIRT = NCHT // 2
NPITER = 80
HALF_E = N_EDGES // 2
NPAIRH = NPAIRT // 2
NPITERH = 40
CHA = 128
NCHTA = N_EDGES // CHA
NPAIRA = NCHTA // 2
NPITERA = 40
N_PAD = 10240
STRIPE = N_PAD // NS

_MESH = plsc.VectorSubcoreMesh(core_axis_name="c", subcore_axis_name="s")


def _enc_body(x_ref, w_ref, b_ref, h1_ref, h21_ref, h22_ref):
    h = jnp.dot(x_ref[...], w_ref[...], preferred_element_type=jnp.float32)
    h = h + b_ref[...]
    h1_ref[...] = h[:, :D]
    h21_ref[...] = h[:, D:2 * D]
    h22_ref[...] = h[:, 2 * D:]


def _encode(x, w_enc, b_enc):
    rows = 2000
    grid = (N_NODES // rows,)
    return pl.pallas_call(
        _enc_body,
        grid=grid,
        in_specs=[
            pl.BlockSpec((rows, D), lambda i: (i, 0)),
            pl.BlockSpec((D, 3 * D), lambda i: (0, 0)),
            pl.BlockSpec((1, 3 * D), lambda i: (0, 0)),
        ],
        out_specs=[
            pl.BlockSpec((rows, D), lambda i: (i, 0)),
            pl.BlockSpec((rows, D), lambda i: (i, 0)),
            pl.BlockSpec((rows, D), lambda i: (i, 0)),
        ],
        out_shape=[jax.ShapeDtypeStruct((N_NODES, D), jnp.float32)] * 3,
    )(x, w_enc, b_enc)


@functools.partial(
    pl.kernel,
    out_type=jax.ShapeDtypeStruct((N_EDGES, D), jnp.float32),
    mesh=_MESH,
    scratch_types=[
        pltpu.VMEM((2, CHA), jnp.int32),
        pltpu.VMEM((2, CHA), jnp.int32),
        pltpu.VMEM((2, CHA), jnp.int32),
        pltpu.VMEM((2, CHA), jnp.int32),
        pltpu.VMEM((CHA, D), jnp.float32),
        pltpu.VMEM((CHA, D), jnp.float32),
        pltpu.VMEM((CHA, D), jnp.float32),
        pltpu.VMEM((CHA, D), jnp.float32),
    ] + [pltpu.SemaphoreType.DMA] * 12,
)
def _sc1a(src_hbm, dst_hbm, h21_hbm, h22_hbm, s_hbm,
          ixs0, ixd0, ixs1, ixd1, ra, rb, rc, rd,
          i0, i1, i2, i3, ga, gb, gc, gd, wsa, wsb, wsc, wsd):
    c = lax.axis_index("c")
    sidx = lax.axis_index("s")
    wid = sidx * NC + c

    def body(m, carry):
        p0 = (2 * m) * NW + wid
        p1 = (2 * m + 1) * NW + wid

        @pl.when(p0 < NPAIRA)
        def _p0():
            ia = pltpu.async_copy(src_hbm.at[pl.ds(2 * p0, 2)], ixs0, i0)
            ib = pltpu.async_copy(dst_hbm.at[pl.ds(2 * p0, 2)], ixd0, i1)

            @pl.when(p1 < NPAIRA)
            def _pre1():
                pltpu.async_copy(src_hbm.at[pl.ds(2 * p1, 2)], ixs1, i2)
                pltpu.async_copy(dst_hbm.at[pl.ds(2 * p1, 2)], ixd1, i3)

            ia.wait()
            g_a = pltpu.async_copy(h21_hbm.at[ixs0.at[0]], ra, ga)
            g_b = pltpu.async_copy(h21_hbm.at[ixs0.at[1]], rb, gb)

            @pl.when(p1 < NPAIRA)
            def _g1():
                pltpu.make_async_copy(src_hbm.at[pl.ds(2 * p1, 2)], ixs1,
                                      i2).wait()
                pltpu.async_copy(h21_hbm.at[ixs1.at[0]], rc, gc)
                pltpu.async_copy(h21_hbm.at[ixs1.at[1]], rd, gd)

            ib.wait()
            g_a.wait()
            a3 = pltpu.async_copy(h22_hbm.at[ixd0.at[0]], ra, ga, add=True)
            g_b.wait()
            b3 = pltpu.async_copy(h22_hbm.at[ixd0.at[1]], rb, gb, add=True)

            @pl.when(p1 < NPAIRA)
            def _g2():
                pltpu.make_async_copy(dst_hbm.at[pl.ds(2 * p1, 2)], ixd1,
                                      i3).wait()
                pltpu.make_async_copy(h21_hbm.at[ixs1.at[0]], rc, gc).wait()
                pltpu.async_copy(h22_hbm.at[ixd1.at[0]], rc, gc, add=True)
                pltpu.make_async_copy(h21_hbm.at[ixs1.at[1]], rd, gd).wait()
                pltpu.async_copy(h22_hbm.at[ixd1.at[1]], rd, gd, add=True)

            a3.wait()
            w_a = pltpu.async_copy(ra, s_hbm.at[pl.ds(2 * p0 * CHA, CHA)],
                                   wsa)
            b3.wait()
            w_b = pltpu.async_copy(rb,
                                   s_hbm.at[pl.ds((2 * p0 + 1) * CHA, CHA)],
                                   wsb)

            @pl.when(p1 < NPAIRA)
            def _w1():
                pltpu.make_async_copy(h22_hbm.at[ixd1.at[0]], rc, gc).wait()
                pltpu.async_copy(rc, s_hbm.at[pl.ds(2 * p1 * CHA, CHA)], wsc)
                pltpu.make_async_copy(h22_hbm.at[ixd1.at[1]], rd, gd).wait()
                pltpu.async_copy(rd,
                                 s_hbm.at[pl.ds((2 * p1 + 1) * CHA, CHA)],
                                 wsd)

            w_a.wait()
            w_b.wait()

            @pl.when(p1 < NPAIRA)
            def _dr1():
                pltpu.make_async_copy(
                    rc, s_hbm.at[pl.ds(2 * p1 * CHA, CHA)], wsc).wait()
                pltpu.make_async_copy(
                    rd, s_hbm.at[pl.ds((2 * p1 + 1) * CHA, CHA)], wsd).wait()

        return carry

    lax.fori_loop(0, NPITERA // 2, body, 0)


@functools.partial(
    pl.kernel,
    out_type=jax.ShapeDtypeStruct((NC * N_PAD, D), jnp.float32),
    mesh=_MESH,
    scratch_types=[
        pltpu.VMEM((2, CHA), jnp.int32),
        pltpu.VMEM((2, CHA), jnp.int32),
        pltpu.VMEM((CHA, D), jnp.float32),
        pltpu.VMEM((CHA, D), jnp.float32),
        pltpu.VMEM_SHARED((N_PAD, D), jnp.float32),
    ] + [pltpu.SemaphoreType.DMA] * 6,
)
def _sc1b(src_hbm, dst_hbm, h1_hbm, z_hbm,
          agg_hbm, idx_s, idx_d, rows_a, rows_b, aggsh,
          si1, si2, s1, s3, s5, s6):
    c = lax.axis_index("c")
    sidx = lax.axis_index("s")
    wid = sidx * NC + c
    tid = sidx

    pltpu.sync_copy(z_hbm, aggsh.at[pl.ds(tid * STRIPE, STRIPE)])
    plsc.subcore_barrier()

    def body(j, carry):
        pid = j * NW + wid

        @pl.when(pid < NPAIRA)
        def _pair():
            i1 = pltpu.async_copy(src_hbm.at[pl.ds(2 * pid, 2)], idx_s, si1)
            i2 = pltpu.async_copy(dst_hbm.at[pl.ds(2 * pid, 2)], idx_d, si2)
            i1.wait()
            g1a = pltpu.async_copy(h1_hbm.at[idx_s.at[0]], rows_a, s1)
            g1b = pltpu.async_copy(h1_hbm.at[idx_s.at[1]], rows_b, s3)
            i2.wait()
            g1a.wait()
            sca = pltpu.async_copy(rows_a, aggsh.at[idx_d.at[0]], s5,
                                   add=True)
            g1b.wait()
            scb = pltpu.async_copy(rows_b, aggsh.at[idx_d.at[1]], s6,
                                   add=True)
            sca.wait()
            scb.wait()

        return carry

    lax.fori_loop(0, NPITERA, body, 0)

    plsc.subcore_barrier()
    pltpu.sync_copy(aggsh.at[pl.ds(tid * STRIPE, STRIPE)],
                    agg_hbm.at[pl.ds(c * N_PAD + tid * STRIPE, STRIPE)])


def _umlp_body(s_ref, w0, b0, w1, b1, w2, b2, u_ref):
    h = jnp.tanh(jnp.dot(s_ref[...], w0[...],
                         preferred_element_type=jnp.float32) + b0[...])
    h = jnp.maximum(jnp.dot(h, w1[...],
                            preferred_element_type=jnp.float32) + b1[...], 0.0)
    u_ref[...] = jnp.dot(h, w2[...],
                         preferred_element_type=jnp.float32) + b2[...]


def _umlp(s, w0, b0, w1, b1, w2, b2):
    rows = 3200
    grid = (N_EDGES // rows,)
    wspec = pl.BlockSpec((D, D), lambda i: (0, 0))
    bspec = pl.BlockSpec((1, D), lambda i: (0, 0))
    return pl.pallas_call(
        _umlp_body,
        grid=grid,
        in_specs=[pl.BlockSpec((rows, D), lambda i: (i, 0)),
                  wspec, bspec, wspec, bspec, wspec, bspec],
        out_specs=pl.BlockSpec((rows, D), lambda i: (i, 0)),
        out_shape=jax.ShapeDtypeStruct((N_EDGES, D), jnp.float32),
    )(s, w0, b0, w1, b1, w2, b2)


@functools.partial(
    pl.kernel,
    out_type=jax.ShapeDtypeStruct((NC * N_PAD, D), jnp.float32),
    mesh=_MESH,
    scratch_types=[
        pltpu.VMEM((2, CH), jnp.int32),
        pltpu.VMEM((2, CH), jnp.int32),
        pltpu.VMEM((2 * CH, D), jnp.float32),
        pltpu.VMEM((2 * CH, D), jnp.float32),
        pltpu.VMEM_SHARED((N_PAD, D), jnp.float32),
    ] + [pltpu.SemaphoreType.DMA] * 6,
)
def _sc2(src_hbm, u_hbm, z_hbm, usum_hbm, idx_a, idx_b, rows_a, rows_b,
         ussh, si1, si2, sl1, sl2, sca, scb):
    c = lax.axis_index("c")
    sidx = lax.axis_index("s")
    wid = sidx * NC + c
    tid = sidx

    pltpu.sync_copy(z_hbm, ussh.at[pl.ds(tid * STRIPE, STRIPE)])
    plsc.subcore_barrier()

    def drain_b():
        pltpu.make_async_copy(rows_b.at[pl.ds(0, CH)],
                              ussh.at[idx_b.at[0]], scb).wait()
        pltpu.make_async_copy(rows_b.at[pl.ds(CH, CH)],
                              ussh.at[idx_b.at[1]], scb).wait()

    def body(m, carry):
        pid_a = (2 * m) * NW + wid
        pid_b = (2 * m + 1) * NW + wid
        prev_b = (2 * m - 1) * NW + wid

        @pl.when(pid_a < NPAIRT)
        def _a():
            i_a = pltpu.async_copy(src_hbm.at[pl.ds(2 * pid_a, 2)], idx_a,
                                   si1)
            l_a = pltpu.async_copy(u_hbm.at[pl.ds(2 * pid_a * CH, 2 * CH)],
                                   rows_a, sl1)
            i_a.wait()
            l_a.wait()
            sa1 = pltpu.async_copy(rows_a.at[pl.ds(0, CH)],
                                   ussh.at[idx_a.at[0]], sca, add=True)
            sa2 = pltpu.async_copy(rows_a.at[pl.ds(CH, CH)],
                                   ussh.at[idx_a.at[1]], sca, add=True)

            @pl.when(pid_b < NPAIRT)
            def _b():
                @pl.when(jnp.logical_and(m > 0, prev_b < NPAIRT))
                def _dprev():
                    drain_b()

                i_b = pltpu.async_copy(src_hbm.at[pl.ds(2 * pid_b, 2)],
                                       idx_b, si2)
                l_b = pltpu.async_copy(u_hbm.at[pl.ds(2 * pid_b * CH, 2 * CH)],
                                       rows_b, sl2)
                sa1.wait()
                sa2.wait()
                i_b.wait()
                l_b.wait()
                pltpu.async_copy(rows_b.at[pl.ds(0, CH)],
                                 ussh.at[idx_b.at[0]], scb, add=True)
                pltpu.async_copy(rows_b.at[pl.ds(CH, CH)],
                                 ussh.at[idx_b.at[1]], scb, add=True)

            @pl.when(jnp.logical_not(pid_b < NPAIRT))
            def _a_only():
                @pl.when(jnp.logical_and(m > 0, prev_b < NPAIRT))
                def _dprev2():
                    drain_b()

                sa1.wait()
                sa2.wait()

        return carry

    nouter = NPITER // 2
    lax.fori_loop(0, nouter, body, 0)

    last_a = (2 * nouter - 2) * NW + wid
    last_b = (2 * nouter - 1) * NW + wid
    prev_b = (2 * nouter - 3) * NW + wid

    @pl.when(jnp.logical_or(
        last_b < NPAIRT,
        jnp.logical_and(last_a >= NPAIRT, prev_b < NPAIRT)))
    def _dlast():
        drain_b()

    plsc.subcore_barrier()
    pltpu.sync_copy(ussh.at[pl.ds(tid * STRIPE, STRIPE)],
                    usum_hbm.at[pl.ds(c * N_PAD + tid * STRIPE, STRIPE)])


def _kdot_body(agg_ref, usum_ref, w0, b0, w1, b1, w2, b2, out_ref):
    a = agg_ref[0] + agg_ref[1]
    us = usum_ref[0] + usum_ref[1]
    h = jnp.tanh(jnp.dot(a, w0[...],
                         preferred_element_type=jnp.float32) + b0[...])
    h = jnp.maximum(jnp.dot(h, w1[...],
                            preferred_element_type=jnp.float32) + b1[...], 0.0)
    k = jnp.dot(h, w2[...], preferred_element_type=jnp.float32) + b2[...]
    part = jnp.sum(k * us).reshape(1, 1)

    @pl.when(pl.program_id(0) == 0)
    def _():
        out_ref[...] = jnp.zeros((1, 1), jnp.float32)

    out_ref[...] += part


def _kdot(agg, usum, w0, b0, w1, b1, w2, b2):
    rows = 2048
    grid = (N_PAD // rows,)
    wspec = pl.BlockSpec((D, D), lambda i: (0, 0))
    bspec = pl.BlockSpec((1, D), lambda i: (0, 0))
    out = pl.pallas_call(
        _kdot_body,
        grid=grid,
        in_specs=[pl.BlockSpec((NC, rows, D), lambda i: (0, i, 0)),
                  pl.BlockSpec((NC, rows, D), lambda i: (0, i, 0)),
                  wspec, bspec, wspec, bspec, wspec, bspec],
        out_specs=pl.BlockSpec((1, 1), lambda i: (0, 0)),
        out_shape=jax.ShapeDtypeStruct((1, 1), jnp.float32),
    )(agg, usum, w0, b0, w1, b1, w2, b2)
    return out[0, 0]


def kernel(x, edge_index, e,
           Wk0, bk0, Wk1, bk1, Wk2, bk2,
           Wu0, bu0, Wu1, bu1, Wu2, bu2,
           WencK, bencK, WencP1, bencP1, WencP2, bencP2):
    src = edge_index[0].reshape(NCHT, CH)
    dst = edge_index[1].reshape(NCHT, CH)
    src_a = edge_index[0].reshape(NCHTA, CHA)
    dst_a = edge_index[1].reshape(NCHTA, CHA)

    w_enc = jnp.concatenate([WencK.T, WencP1.T, WencP2.T], axis=1)
    b_enc = jnp.concatenate([bencK, bencP1, bencP2])[None, :]
    h1, h21, h22 = _encode(x, w_enc, b_enc)

    z = jnp.zeros((STRIPE, D), jnp.float32)
    s = _sc1a(src_a, dst_a, h21, h22)
    agg = _sc1b(src_a, dst_a, h1, z)

    u = _umlp(s, Wu0.T, bu0[None, :], Wu1.T, bu1[None, :], Wu2.T, bu2[None, :])

    usum = _sc2(src, u, z)

    agg3 = agg.reshape(NC, N_PAD, D)
    usum3 = usum.reshape(NC, N_PAD, D)
    return _kdot(agg3, usum3,
                 Wk0.T, bk0[None, :], Wk1.T, bk1[None, :], Wk2.T, bk2[None, :])

# --- scband reference (transcript-rebuilt; emitter-appended) ---
"""Pipeline reference for scband-energy-layer-43379169689812 (READ-ONLY COPY).

The authoritative reference and input builder live on the scoring server;
editing this copy changes nothing except your own understanding.
"""

import jax, jax.numpy as jnp
import numpy as np

N = 10000
E = 320000
D = 128
H = 128
INIT_W = 0.1


def setup_inputs(seed: int = 0) -> dict:
    key = jax.random.key(seed)
    ks = jax.random.split(key, 16)
    x = jax.random.normal(ks[0], (N, D), dtype=jnp.float32)
    edge_index = jax.random.randint(ks[1], (2, E), 0, N, dtype=jnp.int32)
    e = jax.random.normal(ks[2], (E, H), dtype=jnp.float32)

    def lin(k, out_d, in_d):
        return INIT_W * jax.random.normal(k, (out_d, in_d), dtype=jnp.float32)

    Wk0 = lin(ks[3], H, D); bk0 = jnp.zeros((H,), jnp.float32)
    Wk1 = lin(ks[4], H, H); bk1 = jnp.zeros((H,), jnp.float32)
    Wk2 = lin(ks[5], H, H); bk2 = jnp.zeros((H,), jnp.float32)
    Wu0 = lin(ks[6], H, D); bu0 = jnp.zeros((H,), jnp.float32)
    Wu1 = lin(ks[7], H, H); bu1 = jnp.zeros((H,), jnp.float32)
    Wu2 = lin(ks[8], H, H); bu2 = jnp.zeros((H,), jnp.float32)
    WencK = lin(ks[9], D, D); bencK = jnp.zeros((D,), jnp.float32)
    WencP1 = lin(ks[10], D, D); bencP1 = jnp.zeros((D,), jnp.float32)
    WencP2 = lin(ks[11], D, D); bencP2 = jnp.zeros((D,), jnp.float32)
    return {
        "x": x, "edge_index": edge_index, "e": e,
        "Wk0": Wk0, "bk0": bk0, "Wk1": Wk1, "bk1": bk1, "Wk2": Wk2, "bk2": bk2,
        "Wu0": Wu0, "bu0": bu0, "Wu1": Wu1, "bu1": bu1, "Wu2": Wu2, "bu2": bu2,
        "WencK": WencK, "bencK": bencK,
        "WencP1": WencP1, "bencP1": bencP1,
        "WencP2": WencP2, "bencP2": bencP2,
    }


def _mlp(h, W0, b0, W1, b1, W2, b2):
    h = jnp.tanh(h @ W0.T + b0)
    h = jax.nn.relu(h @ W1.T + b1)
    return h @ W2.T + b2


def reference(x, edge_index, e,
              Wk0, bk0, Wk1, bk1, Wk2, bk2,
              Wu0, bu0, Wu1, bu1, Wu2, bu2,
              WencK, bencK, WencP1, bencP1, WencP2, bencP2):
    src = edge_index[0]
    dst = edge_index[1]
    n = x.shape[0]
    # getK: h1 = encK(x); aggregate copy_u + sum (src -> dst); K = Kfun(h1_agg)
    h1 = x @ WencK.T + bencK
    h1_agg = jax.ops.segment_sum(h1[src], dst, num_segments=n)
    K = _mlp(h1_agg, Wk0, bk0, Wk1, bk1, Wk2, bk2)
    # getU: edge out = encP1(x)[src] + encP2(x)[dst]; U = Ufun(out)
    h2_1 = x @ WencP1.T + bencP1
    h2_2 = x @ WencP2.T + bencP2
    U = _mlp(h2_1[src] + h2_2[dst], Wu0, bu0, Wu1, bu1, Wu2, bu2)
    # P is computed in the original module but unused for the output
    P = U * e
    # getH: update_all(u_mul_e('E','E'), sum) -> E_new[dst] = sum K[src] * U
    m = K[src] * U
    E_new = jax.ops.segment_sum(m, dst, num_segments=n)
    return jnp.sum(E_new)

if __name__ == "__main__":
    import jax
    _d = setup_inputs()
    print(jax.jit(kernel)(*tuple(_d.values())))

</pallas_src>

<mosaic_0001>
#map = affine_map<(d0, d1) -> (0, 0)>
module attributes {stable_mosaic.version = 14 : i64} {
  func.func @_sc2(%arg0: i32, %arg1: i32, %arg2: memref<5000x64xi32, #tpu.memory_space<hbm>>, %arg3: memref<320000x128xf32, #tpu.memory_space<hbm>>, %arg4: memref<640x128xf32, #tpu.memory_space<hbm>>, %arg5: memref<20480x128xf32, #tpu.memory_space<hbm>>, %arg6: memref<2x64xi32, #tpu.memory_space<vmem>>, %arg7: memref<2x64xi32, #tpu.memory_space<vmem>>, %arg8: memref<128x128xf32, #tpu.memory_space<vmem>>, %arg9: memref<128x128xf32, #tpu.memory_space<vmem>>, %arg10: memref<10240x128xf32, #tpu.memory_space<vmem_shared>>, %arg11: memref<!tpu.dma_semaphore, #tpu.memory_space<semaphore_mem>>, %arg12: memref<!tpu.dma_semaphore, #tpu.memory_space<semaphore_mem>>, %arg13: memref<!tpu.dma_semaphore, #tpu.memory_space<semaphore_mem>>, %arg14: memref<!tpu.dma_semaphore, #tpu.memory_space<semaphore_mem>>, %arg15: memref<!tpu.dma_semaphore, #tpu.memory_space<semaphore_mem>>, %arg16: memref<!tpu.dma_semaphore, #tpu.memory_space<semaphore_mem>>) attributes {dimension_semantics = [#tpu.dimension_semantics<core_parallel>, #tpu.dimension_semantics<subcore_parallel>], iteration_bounds = array<i64: 2, 16>, scalar_prefetch = 0 : i64, scratch_operands = 11 : i64, tpu.core_type = #tpu.core_type<sc_vector_subcore>, window_params = [{transform_indices = #map}, {transform_indices = #map}, {transform_indices = #map}, {transform_indices = #map}]} {
    %mul3A = arith.constant 2 : i32
    %mul3A_0 = arith.muli %arg1, %mul3A : i32
    %add3A = arith.addi %mul3A_0, %arg0 : i32
    %mul3A_1 = arith.constant 640 : i32
    %mul3A_2 = arith.muli %arg1, %mul3A_1 : i32
    "tpu.region"() ({
      %run_scoped3A = tpu.sem_alloc : memref<!tpu.dma_semaphore, #tpu.memory_space<semaphore_mem>>
      %dma_start3A = arith.constant 0 : i32
      %dma_start3A_27 = tpu.memref_slice %arg10[%mul3A_2, %dma_start3A] : memref<10240x128xf32, #tpu.memory_space<vmem_shared>> -> memref<640x128xf32, #tpu.memory_space<vmem_shared>>
      tpu.enqueue_dma source(%arg4 : memref<640x128xf32, #tpu.memory_space<hbm>>) target(%dma_start3A_27 : memref<640x128xf32, #tpu.memory_space<vmem_shared>>) target_semaphore(%run_scoped3A : memref<!tpu.dma_semaphore, #tpu.memory_space<semaphore_mem>>)
      %dma_wait3A = arith.constant 0 : i32
      %dma_wait3A_28 = tpu.memref_slice %arg10[%mul3A_2, %dma_wait3A] : memref<10240x128xf32, #tpu.memory_space<vmem_shared>> -> memref<640x128xf32, #tpu.memory_space<vmem_shared>>
      tpu.wait_dma2 semaphore(%run_scoped3A : memref<!tpu.dma_semaphore, #tpu.memory_space<semaphore_mem>>) src(%arg4 : memref<640x128xf32, #tpu.memory_space<hbm>>) dst(%dma_wait3A_28 : memref<640x128xf32, #tpu.memory_space<vmem_shared>>)
      tpu.yield
    }) : () -> ()
    %barrier3A = arith.constant 0 : index
    tpu.barrier barrier_id(%barrier3A)
    %scan3A = arith.constant 0 : i32
    %scan3A_3 = arith.constant 0 : i32
    %scan3A_4 = arith.constant 40 : i32
    %scan3A_5 = arith.addi %scan3A_3, %scan3A_4 : i32
    %scan3A_6 = arith.constant 1 : i32
    scf.for %scan3A_27 = %scan3A_3 to %scan3A_5 step %scan3A_6  : i32 {
      %mul3A_28 = arith.constant 2 : i32
      %mul3A_29 = arith.muli %mul3A_28, %scan3A_27 : i32
      %mul3A_30 = arith.constant 32 : i32
      %mul3A_31 = arith.muli %mul3A_29, %mul3A_30 : i32
      %add3A_32 = arith.addi %mul3A_31, %add3A : i32
      %mul3A_33 = arith.constant 2 : i32
      %mul3A_34 = arith.muli %mul3A_33, %scan3A_27 : i32
      %add3A_35 = arith.constant 1 : i32
      %add3A_36 = arith.addi %mul3A_34, %add3A_35 : i32
      %mul3A_37 = arith.constant 32 : i32
      %mul3A_38 = arith.muli %add3A_36, %mul3A_37 : i32
      %add3A_39 = arith.addi %mul3A_38, %add3A : i32
      %mul3A_40 = arith.constant 2 : i32
      %mul3A_41 = arith.muli %mul3A_40, %scan3A_27 : i32
      %sub3A = arith.constant 1 : i32
      %sub3A_42 = arith.subi %mul3A_41, %sub3A : i32
      %mul3A_43 = arith.constant 32 : i32
      %mul3A_44 = arith.muli %sub3A_42, %mul3A_43 : i32
      %add3A_45 = arith.addi %mul3A_44, %add3A : i32
      %lt3A_46 = arith.constant 2500 : i32
      %lt3A_47 = arith.cmpi slt, %add3A_32, %lt3A_46 : i32
      %convert_element_type3A_48 = arith.extui %lt3A_47 : i1 to i32
      %cond3A_49 = arith.constant 0 : i32
      %cond3A_50 = arith.cmpi ne, %convert_element_type3A_48, %cond3A_49 : i32
      scf.if %cond3A_50 {
        %mul3A_51 = arith.constant 2 : i32
        %mul3A_52 = arith.muli %mul3A_51, %add3A_32 : i32
        %dma_start3A = arith.constant 0 : i32
        %dma_start3A_53 = tpu.memref_slice %arg2[%mul3A_52, %dma_start3A] : memref<5000x64xi32, #tpu.memory_space<hbm>> -> memref<2x64xi32, #tpu.memory_space<hbm>>
        %dma_start3A_54 = arith.constant 0 : i32
        %dma_start3A_55 = tpu.memref_slice %arg2[%mul3A_52, %dma_start3A_54] : memref<5000x64xi32, #tpu.memory_space<hbm>> -> memref<2x64xi32, #tpu.memory_space<hbm>>
        tpu.enqueue_dma source(%dma_start3A_55 : memref<2x64xi32, #tpu.memory_space<hbm>>) target(%arg6 : memref<2x64xi32, #tpu.memory_space<vmem>>) target_semaphore(%arg11 : memref<!tpu.dma_semaphore, #tpu.memory_space<semaphore_mem>>)
        %mul3A_56 = arith.constant 2 : i32
        %mul3A_57 = arith.muli %mul3A_56, %add3A_32 : i32
        %mul3A_58 = arith.constant 64 : i32
        %mul3A_59 = arith.muli %mul3A_57, %mul3A_58 : i32
        %dma_start3A_60 = arith.constant 0 : i32
        %dma_start3A_61 = tpu.memref_slice %arg3[%mul3A_59, %dma_start3A_60] : memref<320000x128xf32, #tpu.memory_space<hbm>> -> memref<128x128xf32, #tpu.memory_space<hbm>>
        %dma_start3A_62 = arith.constant 0 : i32
        %dma_start3A_63 = tpu.memref_slice %arg3[%mul3A_59, %dma_start3A_62] : memref<320000x128xf32, #tpu.memory_space<hbm>> -> memref<128x128xf32, #tpu.memory_space<hbm>>
        tpu.enqueue_dma source(%dma_start3A_63 : memref<128x128xf32, #tpu.memory_space<hbm>>) target(%arg8 : memref<128x128xf32, #tpu.memory_space<vmem>>) target_semaphore(%arg13 : memref<!tpu.dma_semaphore, #tpu.memory_space<semaphore_mem>>)
        %dma_wait3A = arith.constant 0 : i32
        %dma_wait3A_64 = tpu.memref_slice %arg2[%mul3A_52, %dma_wait3A] : memref<5000x64xi32, #tpu.memory_space<hbm>> -> memref<2x64xi32, #tpu.memory_space<hbm>>
        %dma_wait3A_65 = arith.constant 0 : i32
        %dma_wait3A_66 = tpu.memref_slice %arg2[%mul3A_52, %dma_wait3A_65] : memref<5000x64xi32, #tpu.memory_space<hbm>> -> memref<2x64xi32, #tpu.memory_space<hbm>>
        tpu.wait_dma2 semaphore(%arg11 : memref<!tpu.dma_semaphore, #tpu.memory_space<semaphore_mem>>) src(%dma_wait3A_66 : memref<2x64xi32, #tpu.memory_space<hbm>>) dst(%arg6 : memref<2x64xi32, #tpu.memory_space<vmem>>)
        %dma_wait3A_67 = arith.constant 0 : i32
        %dma_wait3A_68 = tpu.memref_slice %arg3[%mul3A_59, %dma_wait3A_67] : memref<320000x128xf32, #tpu.memory_space<hbm>> -> memref<128x128xf32, #tpu.memory_space<hbm>>
        %dma_wait3A_69 = arith.constant 0 : i32
        %dma_wait3A_70 = tpu.memref_slice %arg3[%mul3A_59, %dma_wait3A_69] : memref<320000x128xf32, #tpu.memory_space<hbm>> -> memref<128x128xf32, #tpu.memory_space<hbm>>
        tpu.wait_dma2 semaphore(%arg13 : memref<!tpu.dma_semaphore, #tpu.memory_space<semaphore_mem>>) src(%dma_wait3A_70 : memref<128x128xf32, #tpu.memory_space<hbm>>) dst(%arg8 : memref<128x128xf32, #tpu.memory_space<vmem>>)
        %dma_start3A_71 = arith.constant 0 : i32
        %dma_start3A_72 = arith.constant 0 : i32
        %dma_start3A_73 = arith.constant 0 : i32
        %dma_start3A_74 = tpu.memref_slice %arg8[%dma_start3A_72, %dma_start3A_73] : memref<128x128xf32, #tpu.memory_space<vmem>> -> memref<64x128xf32, #tpu.memory_space<vmem>>
        %dma_start3A_75 = arith.constant 0 : i32
        %dma_start3A_76 = tpu.memref_slice %arg6[%dma_start3A_71, %dma_start3A_75] : memref<2x64xi32, #tpu.memory_space<vmem>> -> memref<1x64xi32, #tpu.memory_space<vmem>>
        %dma_start3A_77 = tpu.memref_squeeze %dma_start3A_76 : memref<1x64xi32, #tpu.memory_space<vmem>> -> memref<64xi32, #tpu.memory_space<vmem>>
        %dma_start3A_78 = arith.constant 0 : i32
        %dma_start3A_79 = arith.constant 0 : i32
        %dma_start3A_80 = tpu.memref_slice %arg10[%dma_start3A_78, %dma_start3A_79] : memref<10240x128xf32, #tpu.memory_space<vmem_shared>> -> memref<10240x128xf32, #tpu.memory_space<vmem_shared>>
        tpu.enqueue_indirect_dma source(%dma_start3A_74 : memref<64x128xf32, #tpu.memory_space<vmem>>) target(%dma_start3A_80 : memref<10240x128xf32, #tpu.memory_space<vmem_shared>>) offsets(%dma_start3A_77 : memref<64xi32, #tpu.memory_space<vmem>>) semaphore(%arg15 : memref<!tpu.dma_semaphore, #tpu.memory_space<semaphore_mem>>) {add = true}
        %dma_start3A_81 = arith.constant 1 : i32
        %dma_start3A_82 = arith.constant 64 : i32
        %dma_start3A_83 = arith.constant 0 : i32
        %dma_start3A_84 = tpu.memref_slice %arg8[%dma_start3A_82, %dma_start3A_83] : memref<128x128xf32, #tpu.memory_space<vmem>> -> memref<64x128xf32, #tpu.memory_space<vmem>>
        %dma_start3A_85 = arith.constant 0 : i32
        %dma_start3A_86 = tpu.memref_slice %arg6[%dma_start3A_81, %dma_start3A_85] : memref<2x64xi32, #tpu.memory_space<vmem>> -> memref<1x64xi32, #tpu.memory_space<vmem>>
        %dma_start3A_87 = tpu.memref_squeeze %dma_start3A_86 : memref<1x64xi32, #tpu.memory_space<vmem>> -> memref<64xi32, #tpu.memory_space<vmem>>
        %dma_start3A_88 = arith.constant 0 : i32
        %dma_start3A_89 = arith.constant 0 : i32
        %dma_start3A_90 = tpu.memref_slice %arg10[%dma_start3A_88, %dma_start3A_89] : memref<10240x128xf32, #tpu.memory_space<vmem_shared>> -> memref<10240x128xf32, #tpu.memory_space<vmem_shared>>
        tpu.enqueue_indirect_dma source(%dma_start3A_84 : memref<64x128xf32, #tpu.memory_space<vmem>>) target(%dma_start3A_90 : memref<10240x128xf32, #tpu.memory_space<vmem_shared>>) offsets(%dma_start3A_87 : memref<64xi32, #tpu.memory_space<vmem>>) semaphore(%arg15 : memref<!tpu.dma_semaphore, #tpu.memory_space<semaphore_mem>>) {add = true}
        %lt3A_91 = arith.constant 2500 : i32
        %lt3A_92 = arith.cmpi slt, %add3A_39, %lt3A_91 : i32
        %convert_element_type3A_93 = arith.extui %lt3A_92 : i1 to i32
        %cond3A_94 = arith.constant 0 : i32
        %cond3A_95 = arith.constant 1 : i32
        %cond3A_96 = arith.constant 0 : i32
        %cond3A_97 = arith.cmpi ne, %convert_element_type3A_93, %cond3A_96 : i32
        scf.if %cond3A_97 {
          %gt3A = arith.constant 0 : i32
          %gt3A_106 = arith.cmpi sgt, %scan3A_27, %gt3A : i32
          %lt3A_107 = arith.constant 2500 : i32
          %lt3A_108 = arith.cmpi slt, %add3A_45, %lt3A_107 : i32
          %and3A_109 = arith.andi %gt3A_106, %lt3A_108 : i1
          %convert_element_type3A_110 = arith.extui %and3A_109 : i1 to i32
          %cond3A_111 = arith.constant 0 : i32
          %cond3A_112 = arith.cmpi ne, %convert_element_type3A_110, %cond3A_111 : i32
          scf.if %cond3A_112 {
            %dma_wait3A_173 = arith.constant 0 : i32
            %dma_wait3A_174 = arith.constant 0 : i32
            %dma_wait3A_175 = arith.constant 0 : i32
            %dma_wait3A_176 = tpu.memref_slice %arg9[%dma_wait3A_174, %dma_wait3A_175] : memref<128x128xf32, #tpu.memory_space<vmem>> -> memref<64x128xf32, #tpu.memory_space<vmem>>
            %dma_wait3A_177 = arith.constant 0 : i32
            %dma_wait3A_178 = tpu.memref_slice %arg7[%dma_wait3A_173, %dma_wait3A_177] : memref<2x64xi32, #tpu.memory_space<vmem>> -> memref<1x64xi32, #tpu.memory_space<vmem>>
            %dma_wait3A_179 = tpu.memref_squeeze %dma_wait3A_178 : memref<1x64xi32, #tpu.memory_space<vmem>> -> memref<64xi32, #tpu.memory_space<vmem>>
            %dma_wait3A_180 = arith.constant 0 : i32
            %dma_wait3A_181 = arith.constant 0 : i32
            %dma_wait3A_182 = tpu.memref_slice %arg10[%dma_wait3A_180, %dma_wait3A_181] : memref<10240x128xf32, #tpu.memory_space<vmem_shared>> -> memref<10240x128xf32, #tpu.memory_space<vmem_shared>>
            tpu.wait_indirect_dma semaphore(%arg16 : memref<!tpu.dma_semaphore, #tpu.memory_space<semaphore_mem>>) src(%dma_wait3A_176 : memref<64x128xf32, #tpu.memory_space<vmem>>) dst(%dma_wait3A_182 : memref<10240x128xf32, #tpu.memory_space<vmem_shared>>)
            %dma_wait3A_183 = arith.constant 1 : i32
            %dma_wait3A_184 = arith.constant 64 : i32
            %dma_wait3A_185 = arith.constant 0 : i32
            %dma_wait3A_186 = tpu.memref_slice %arg9[%dma_wait3A_184, %dma_wait3A_185] : memref<128x128xf32, #tpu.memory_space<vmem>> -> memref<64x128xf32, #tpu.memory_space<vmem>>
            %dma_wait3A_187 = arith.constant 0 : i32
            %dma_wait3A_188 = tpu.memref_slice %arg7[%dma_wait3A_183, %dma_wait3A_187] : memref<2x64xi32, #tpu.memory_space<vmem>> -> memref<1x64xi32, #tpu.memory_space<vmem>>
            %dma_wait3A_189 = tpu.memref_squeeze %dma_wait3A_188 : memref<1x64xi32, #tpu.memory_space<vmem>> -> memref<64xi32, #tpu.memory_space<vmem>>
            %dma_wait3A_190 = arith.constant 0 : i32
            %dma_wait3A_191 = arith.constant 0 : i32
            %dma_wait3A_192 = tpu.memref_slice %arg10[%dma_wait3A_190, %dma_wait3A_191] : memref<10240x128xf32, #tpu.memory_space<vmem_shared>> -> memref<10240x128xf32, #tpu.memory_space<vmem_shared>>
            tpu.wait_indirect_dma semaphore(%arg16 : memref<!tpu.dma_semaphore, #tpu.memory_space<semaphore_mem>>) src(%dma_wait3A_186 : memref<64x128xf32, #tpu.memory_space<vmem>>) dst(%dma_wait3A_192 : memref<10240x128xf32, #tpu.memory_space<vmem_shared>>)
          } else {
          }
          %mul3A_113 = arith.constant 2 : i32
          %mul3A_114 = arith.muli %mul3A_113, %add3A_39 : i32
          %dma_start3A_115 = arith.constant 0 : i32
          %dma_start3A_116 = tpu.memref_slice %arg2[%mul3A_114, %dma_start3A_115] : memref<5000x64xi32, #tpu.memory_space<hbm>> -> memref<2x64xi32, #tpu.memory_space<hbm>>
          %dma_start3A_117 = arith.constant 0 : i32
          %dma_start3A_118 = tpu.memref_slice %arg2[%mul3A_114, %dma_start3A_117] : memref<5000x64xi32, #tpu.memory_space<hbm>> -> memref<2x64xi32, #tpu.memory_space<hbm>>
          tpu.enqueue_dma source(%dma_start3A_118 : memref<2x64xi32, #tpu.memory_space<hbm>>) target(%arg7 : memref<2x64xi32, #tpu.memory_space<vmem>>) target_semaphore(%arg12 : memref<!tpu.dma_semaphore, #tpu.memory_space<semaphore_mem>>)
          %mul3A_119 = arith.constant 2 : i32
          %mul3A_120 = arith.muli %mul3A_119, %add3A_39 : i32
          %mul3A_121 = arith.constant 64 : i32
          %mul3A_122 = arith.muli %mul3A_120, %mul3A_121 : i32
          %dma_start3A_123 = arith.constant 0 : i32
          %dma_start3A_124 = tpu.memref_slice %arg3[%mul3A_122, %dma_start3A_123] : memref<320000x128xf32, #tpu.memory_space<hbm>> -> memref<128x128xf32, #tpu.memory_space<hbm>>
          %dma_start3A_125 = arith.constant 0 : i32
          %dma_start3A_126 = tpu.memref_slice %arg3[%mul3A_122, %dma_start3A_125] : memref<320000x128xf32, #tpu.memory_space<hbm>> -> memref<128x128xf32, #tpu.memory_space<hbm>>
          tpu.enqueue_dma source(%dma_start3A_126 : memref<128x128xf32, #tpu.memory_space<hbm>>) target(%arg9 : memref<128x128xf32, #tpu.memory_space<vmem>>) target_semaphore(%arg14 : memref<!tpu.dma_semaphore, #tpu.memory_space<semaphore_mem>>)
          %dma_wait3A_127 = arith.constant 0 : i32
          %dma_wait3A_128 = arith.constant 0 : i32
          %dma_wait3A_129 = tpu.memref_slice %arg8[%dma_wait3A_127, %dma_wait3A_128] : memref<128x128xf32, #tpu.memory_space<vmem>> -> memref<64x128xf32, #tpu.memory_space<vmem>>
          %dma_wait3A_130 = arith.constant 0 : i32
          %dma_wait3A_131 = tpu.memref_slice %arg6[%cond3A_94, %dma_wait3A_130] : memref<2x64xi32, #tpu.memory_space<vmem>> -> memref<1x64xi32, #tpu.memory_space<vmem>>
          %dma_wait3A_132 = tpu.memref_squeeze %dma_wait3A_131 : memref<1x64xi32, #tpu.memory_space<vmem>> -> memref<64xi32, #tpu.memory_space<vmem>>
          %dma_wait3A_133 = arith.constant 0 : i32
          %dma_wait3A_134 = arith.constant 0 : i32
          %dma_wait3A_135 = tpu.memref_slice %arg10[%dma_wait3A_133, %dma_wait3A_134] : memref<10240x128xf32, #tpu.memory_space<vmem_shared>> -> memref<10240x128xf32, #tpu.memory_space<vmem_shared>>
          tpu.wait_indirect_dma semaphore(%arg15 : memref<!tpu.dma_semaphore, #tpu.memory_space<semaphore_mem>>) src(%dma_wait3A_129 : memref<64x128xf32, #tpu.memory_space<vmem>>) dst(%dma_wait3A_135 : memref<10240x128xf32, #tpu.memory_space<vmem_shared>>)
          %dma_wait3A_136 = arith.constant 64 : i32
          %dma_wait3A_137 = arith.constant 0 : i32
          %dma_wait3A_138 = tpu.memref_slice %arg8[%dma_wait3A_136, %dma_wait3A_137] : memref<128x128xf32, #tpu.memory_space<vmem>> -> memref<64x128xf32, #tpu.memory_space<vmem>>
          %dma_wait3A_139 = arith.constant 0 : i32
          %dma_wait3A_140 = tpu.memref_slice %arg6[%cond3A_95, %dma_wait3A_139] : memref<2x64xi32, #tpu.memory_space<vmem>> -> memref<1x64xi32, #tpu.memory_space<vmem>>
          %dma_wait3A_141 = tpu.memref_squeeze %dma_wait3A_140 : memref<1x64xi32, #tpu.memory_space<vmem>> -> memref<64xi32, #tpu.memory_space<vmem>>
          %dma_wait3A_142 = arith.constant 0 : i32
          %dma_wait3A_143 = arith.constant 0 : i32
          %dma_wait3A_144 = tpu.memref_slice %arg10[%dma_wait3A_142, %dma_wait3A_143] : memref<10240x128xf32, #tpu.memory_space<vmem_shared>> -> memref<10240x128xf32, #tpu.memory_space<vmem_shared>>
          tpu.wait_indirect_dma semaphore(%arg15 : memref<!tpu.dma_semaphore, #tpu.memory_space<semaphore_mem>>) src(%dma_wait3A_138 : memref<64x128xf32, #tpu.memory_space<vmem>>) dst(%dma_wait3A_144 : memref<10240x128xf32, #tpu.memory_space<vmem_shared>>)
          %dma_wait3A_145 = arith.constant 0 : i32
          %dma_wait3A_146 = tpu.memref_slice %arg2[%mul3A_114, %dma_wait3A_145] : memref<5000x64xi32, #tpu.memory_space<hbm>> -> memref<2x64xi32, #tpu.memory_space<hbm>>
          %dma_wait3A_147 = arith.constant 0 : i32
          %dma_wait3A_148 = tpu.memref_slice %arg2[%mul3A_114, %dma_wait3A_147] : memref<5000x64xi32, #tpu.memory_space<hbm>> -> memref<2x64xi32, #tpu.memory_space<hbm>>
          tpu.wait_dma2 semaphore(%arg12 : memref<!tpu.dma_semaphore, #tpu.memory_space<semaphore_mem>>) src(%dma_wait3A_148 : memref<2x64xi32, #tpu.memory_space<hbm>>) dst(%arg7 : memref<2x64xi32, #tpu.memory_space<vmem>>)
          %dma_wait3A_149 = arith.constant 0 : i32
          %dma_wait3A_150 = tpu.memref_slice %arg3[%mul3A_122, %dma_wait3A_149] : memref<320000x128xf32, #tpu.memory_space<hbm>> -> memref<128x128xf32, #tpu.memory_space<hbm>>
          %dma_wait3A_151 = arith.constant 0 : i32
          %dma_wait3A_152 = tpu.memref_slice %arg3[%mul3A_122, %dma_wait3A_151] : memref<320000x128xf32, #tpu.memory_space<hbm>> -> memref<128x128xf32, #tpu.memory_space<hbm>>
          tpu.wait_dma2 semaphore(%arg14 : memref<!tpu.dma_semaphore, #tpu.memory_space<semaphore_mem>>) src(%dma_wait3A_152 : memref<128x128xf32, #tpu.memory_space<hbm>>) dst(%arg9 : memref<128x128xf32, #tpu.memory_space<vmem>>)
          %dma_start3A_153 = arith.constant 0 : i32
          %dma_start3A_154 = arith.constant 0 : i32
          %dma_start3A_155 = arith.constant 0 : i32
          %dma_start3A_156 = tpu.memref_slice %arg9[%dma_start3A_154, %dma_start3A_155] : memref<128x128xf32, #tpu.memory_space<vmem>> -> memref<64x128xf32, #tpu.memory_space<vmem>>
          %dma_start3A_157 = arith.constant 0 : i32
          %dma_start3A_158 = tpu.memref_slice %arg7[%dma_start3A_153, %dma_start3A_157] : memref<2x64xi32, #tpu.memory_space<vmem>> -> memref<1x64xi32, #tpu.memory_space<vmem>>
          %dma_start3A_159 = tpu.memref_squeeze %dma_start3A_158 : memref<1x64xi32, #tpu.memory_space<vmem>> -> memref<64xi32, #tpu.memory_space<vmem>>
          %dma_start3A_160 = arith.constant 0 : i32
          %dma_start3A_161 = arith.constant 0 : i32
          %dma_start3A_162 = tpu.memref_slice %arg10[%dma_start3A_160, %dma_start3A_161] : memref<10240x128xf32, #tpu.memory_space<vmem_shared>> -> memref<10240x128xf32, #tpu.memory_space<vmem_shared>>
          tpu.enqueue_indirect_dma source(%dma_start3A_156 : memref<64x128xf32, #tpu.memory_space<vmem>>) target(%dma_start3A_162 : memref<10240x128xf32, #tpu.memory_space<vmem_shared>>) offsets(%dma_start3A_159 : memref<64xi32, #tpu.memory_space<vmem>>) semaphore(%arg16 : memref<!tpu.dma_semaphore, #tpu.memory_space<semaphore_mem>>) {add = true}
          %dma_start3A_163 = arith.constant 1 : i32
          %dma_start3A_164 = arith.constant 64 : i32
          %dma_start3A_165 = arith.constant 0 : i32
          %dma_start3A_166 = tpu.memref_slice %arg9[%dma_start3A_164, %dma_start3A_165] : memref<128x128xf32, #tpu.memory_space<vmem>> -> memref<64x128xf32, #tpu.memory_space<vmem>>
          %dma_start3A_167 = arith.constant 0 : i32
          %dma_start3A_168 = tpu.memref_slice %arg7[%dma_start3A_163, %dma_start3A_167] : memref<2x64xi32, #tpu.memory_space<vmem>> -> memref<1x64xi32, #tpu.memory_space<vmem>>
          %dma_start3A_169 = tpu.memref_squeeze %dma_start3A_168 : memref<1x64xi32, #tpu.memory_space<vmem>> -> memref<64xi32, #tpu.memory_space<vmem>>
          %dma_start3A_170 = arith.constant 0 : i32
          %dma_start3A_171 = arith.constant 0 : i32
          %dma_start3A_172 = tpu.memref_slice %arg10[%dma_start3A_170, %dma_start3A_171] : memref<10240x128xf32, #tpu.memory_space<vmem_shared>> -> memref<10240x128xf32, #tpu.memory_space<vmem_shared>>
          tpu.enqueue_indirect_dma source(%dma_start3A_166 : memref<64x128xf32, #tpu.memory_space<vmem>>) target(%dma_start3A_172 : memref<10240x128xf32, #tpu.memory_space<vmem_shared>>) offsets(%dma_start3A_169 : memref<64xi32, #tpu.memory_space<vmem>>) semaphore(%arg16 : memref<!tpu.dma_semaphore, #tpu.memory_space<semaphore_mem>>) {add = true}
        } else {
        }
        %lt3A_98 = arith.constant 2500 : i32
        %lt3A_99 = arith.cmpi slt, %add3A_39, %lt3A_98 : i32
        %not3A = arith.constant true
        %not3A_100 = arith.xori %lt3A_99, %not3A : i1
        %convert_element_type3A_101 = arith.extui %not3A_100 : i1 to i32
        %cond3A_102 = arith.constant 0 : i32
        %cond3A_103 = arith.constant 1 : i32
        %cond3A_104 = arith.constant 0 : i32
        %cond3A_105 = arith.cmpi ne, %convert_element_type3A_101, %cond3A_104 : i32
        scf.if %cond3A_105 {
          %gt3A = arith.constant 0 : i32
          %gt3A_106 = arith.cmpi sgt, %scan3A_27, %gt3A : i32
          %lt3A_107 = arith.constant 2500 : i32
          %lt3A_108 = arith.cmpi slt, %add3A_45, %lt3A_107 : i32
          %and3A_109 = arith.andi %gt3A_106, %lt3A_108 : i1
          %convert_element_type3A_110 = arith.extui %and3A_109 : i1 to i32
          %cond3A_111 = arith.constant 0 : i32
          %cond3A_112 = arith.cmpi ne, %convert_element_type3A_110, %cond3A_111 : i32
          scf.if %cond3A_112 {
            %dma_wait3A_131 = arith.constant 0 : i32
            %dma_wait3A_132 = arith.constant 0 : i32
            %dma_wait3A_133 = arith.constant 0 : i32
            %dma_wait3A_134 = tpu.memref_slice %arg9[%dma_wait3A_132, %dma_wait3A_133] : memref<128x128xf32, #tpu.memory_space<vmem>> -> memref<64x128xf32, #tpu.memory_space<vmem>>
            %dma_wait3A_135 = arith.constant 0 : i32
            %dma_wait3A_136 = tpu.memref_slice %arg7[%dma_wait3A_131, %dma_wait3A_135] : memref<2x64xi32, #tpu.memory_space<vmem>> -> memref<1x64xi32, #tpu.memory_space<vmem>>
            %dma_wait3A_137 = tpu.memref_squeeze %dma_wait3A_136 : memref<1x64xi32, #tpu.memory_space<vmem>> -> memref<64xi32, #tpu.memory_space<vmem>>
            %dma_wait3A_138 = arith.constant 0 : i32
            %dma_wait3A_139 = arith.constant 0 : i32
            %dma_wait3A_140 = tpu.memref_slice %arg10[%dma_wait3A_138, %dma_wait3A_139] : memref<10240x128xf32, #tpu.memory_space<vmem_shared>> -> memref<10240x128xf32, #tpu.memory_space<vmem_shared>>
            tpu.wait_indirect_dma semaphore(%arg16 : memref<!tpu.dma_semaphore, #tpu.memory_space<semaphore_mem>>) src(%dma_wait3A_134 : memref<64x128xf32, #tpu.memory_space<vmem>>) dst(%dma_wait3A_140 : memref<10240x128xf32, #tpu.memory_space<vmem_shared>>)
            %dma_wait3A_141 = arith.constant 1 : i32
            %dma_wait3A_142 = arith.constant 64 : i32
            %dma_wait3A_143 = arith.constant 0 : i32
            %dma_wait3A_144 = tpu.memref_slice %arg9[%dma_wait3A_142, %dma_wait3A_143] : memref<128x128xf32, #tpu.memory_space<vmem>> -> memref<64x128xf32, #tpu.memory_space<vmem>>
            %dma_wait3A_145 = arith.constant 0 : i32
            %dma_wait3A_146 = tpu.memref_slice %arg7[%dma_wait3A_141, %dma_wait3A_145] : memref<2x64xi32, #tpu.memory_space<vmem>> -> memref<1x64xi32, #tpu.memory_space<vmem>>
            %dma_wait3A_147 = tpu.memref_squeeze %dma_wait3A_146 : memref<1x64xi32, #tpu.memory_space<vmem>> -> memref<64xi32, #tpu.memory_space<vmem>>
            %dma_wait3A_148 = arith.constant 0 : i32
            %dma_wait3A_149 = arith.constant 0 : i32
            %dma_wait3A_150 = tpu.memref_slice %arg10[%dma_wait3A_148, %dma_wait3A_149] : memref<10240x128xf32, #tpu.memory_space<vmem_shared>> -> memref<10240x128xf32, #tpu.memory_space<vmem_shared>>
            tpu.wait_indirect_dma semaphore(%arg16 : memref<!tpu.dma_semaphore, #tpu.memory_space<semaphore_mem>>) src(%dma_wait3A_144 : memref<64x128xf32, #tpu.memory_space<vmem>>) dst(%dma_wait3A_150 : memref<10240x128xf32, #tpu.memory_space<vmem_shared>>)
          } else {
          }
          %dma_wait3A_113 = arith.constant 0 : i32
          %dma_wait3A_114 = arith.constant 0 : i32
          %dma_wait3A_115 = tpu.memref_slice %arg8[%dma_wait3A_113, %dma_wait3A_114] : memref<128x128xf32, #tpu.memory_space<vmem>> -> memref<64x128xf32, #tpu.memory_space<vmem>>
          %dma_wait3A_116 = arith.constant 0 : i32
          %dma_wait3A_117 = tpu.memref_slice %arg6[%cond3A_102, %dma_wait3A_116] : memref<2x64xi32, #tpu.memory_space<vmem>> -> memref<1x64xi32, #tpu.memory_space<vmem>>
          %dma_wait3A_118 = tpu.memref_squeeze %dma_wait3A_117 : memref<1x64xi32, #tpu.memory_space<vmem>> -> memref<64xi32, #tpu.memory_space<vmem>>
          %dma_wait3A_119 = arith.constant 0 : i32
          %dma_wait3A_120 = arith.constant 0 : i32
          %dma_wait3A_121 = tpu.memref_slice %arg10[%dma_wait3A_119, %dma_wait3A_120] : memref<10240x128xf32, #tpu.memory_space<vmem_shared>> -> memref<10240x128xf32, #tpu.memory_space<vmem_shared>>
          tpu.wait_indirect_dma semaphore(%arg15 : memref<!tpu.dma_semaphore, #tpu.memory_space<semaphore_mem>>) src(%dma_wait3A_115 : memref<64x128xf32, #tpu.memory_space<vmem>>) dst(%dma_wait3A_121 : memref<10240x128xf32, #tpu.memory_space<vmem_shared>>)
          %dma_wait3A_122 = arith.constant 64 : i32
          %dma_wait3A_123 = arith.constant 0 : i32
          %dma_wait3A_124 = tpu.memref_slice %arg8[%dma_wait3A_122, %dma_wait3A_123] : memref<128x128xf32, #tpu.memory_space<vmem>> -> memref<64x128xf32, #tpu.memory_space<vmem>>
          %dma_wait3A_125 = arith.constant 0 : i32
          %dma_wait3A_126 = tpu.memref_slice %arg6[%cond3A_103, %dma_wait3A_125] : memref<2x64xi32, #tpu.memory_space<vmem>> -> memref<1x64xi32, #tpu.memory_space<vmem>>
          %dma_wait3A_127 = tpu.memref_squeeze %dma_wait3A_126 : memref<1x64xi32, #tpu.memory_space<vmem>> -> memref<64xi32, #tpu.memory_space<vmem>>
          %dma_wait3A_128 = arith.constant 0 : i32
          %dma_wait3A_129 = arith.constant 0 : i32
          %dma_wait3A_130 = tpu.memref_slice %arg10[%dma_wait3A_128, %dma_wait3A_129] : memref<10240x128xf32, #tpu.memory_space<vmem_shared>> -> memref<10240x128xf32, #tpu.memory_space<vmem_shared>>
          tpu.wait_indirect_dma semaphore(%arg15 : memref<!tpu.dma_semaphore, #tpu.memory_space<semaphore_mem>>) src(%dma_wait3A_124 : memref<64x128xf32, #tpu.memory_space<vmem>>) dst(%dma_wait3A_130 : memref<10240x128xf32, #tpu.memory_space<vmem_shared>>)
        } else {
        }
      } else {
      }
    }
    %scan3A_7 = arith.constant 40 : i32
    %add3A_8 = arith.constant 2496 : i32
    %add3A_9 = arith.addi %add3A_8, %add3A : i32
    %add3A_10 = arith.constant 2528 : i32
    %add3A_11 = arith.addi %add3A_10, %add3A : i32
    %add3A_12 = arith.constant 2464 : i32
    %add3A_13 = arith.addi %add3A_12, %add3A : i32
    %lt3A = arith.constant 2500 : i32
    %lt3A_14 = arith.cmpi slt, %add3A_11, %lt3A : i32
    %ge3A = arith.constant 2500 : i32
    %ge3A_15 = arith.cmpi sge, %add3A_9, %ge3A : i32
    %lt3A_16 = arith.constant 2500 : i32
    %lt3A_17 = arith.cmpi slt, %add3A_13, %lt3A_16 : i32
    %and3A = arith.andi %ge3A_15, %lt3A_17 : i1
    %or3A = arith.ori %lt3A_14, %and3A : i1
    %convert_element_type3A = arith.extui %or3A : i1 to i32
    %cond3A = arith.constant 0 : i32
    %cond3A_18 = arith.cmpi ne, %convert_element_type3A, %cond3A : i32
    scf.if %cond3A_18 {
      %dma_wait3A = arith.constant 0 : i32
      %dma_wait3A_27 = arith.constant 0 : i32
      %dma_wait3A_28 = arith.constant 0 : i32
      %dma_wait3A_29 = tpu.memref_slice %arg9[%dma_wait3A_27, %dma_wait3A_28] : memref<128x128xf32, #tpu.memory_space<vmem>> -> memref<64x128xf32, #tpu.memory_space<vmem>>
      %dma_wait3A_30 = arith.constant 0 : i32
      %dma_wait3A_31 = tpu.memref_slice %arg7[%dma_wait3A, %dma_wait3A_30] : memref<2x64xi32, #tpu.memory_space<vmem>> -> memref<1x64xi32, #tpu.memory_space<vmem>>
      %dma_wait3A_32 = tpu.memref_squeeze %dma_wait3A_31 : memref<1x64xi32, #tpu.memory_space<vmem>> -> memref<64xi32, #tpu.memory_space<vmem>>
      %dma_wait3A_33 = arith.constant 0 : i32
      %dma_wait3A_34 = arith.constant 0 : i32
      %dma_wait3A_35 = tpu.memref_slice %arg10[%dma_wait3A_33, %dma_wait3A_34] : memref<10240x128xf32, #tpu.memory_space<vmem_shared>> -> memref<10240x128xf32, #tpu.memory_space<vmem_shared>>
      tpu.wait_indirect_dma semaphore(%arg16 : memref<!tpu.dma_semaphore, #tpu.memory_space<semaphore_mem>>) src(%dma_wait3A_29 : memref<64x128xf32, #tpu.memory_space<vmem>>) dst(%dma_wait3A_35 : memref<10240x128xf32, #tpu.memory_space<vmem_shared>>)
      %dma_wait3A_36 = arith.constant 1 : i32
      %dma_wait3A_37 = arith.constant 64 : i32
      %dma_wait3A_38 = arith.constant 0 : i32
      %dma_wait3A_39 = tpu.memref_slice %arg9[%dma_wait3A_37, %dma_wait3A_38] : memref<128x128xf32, #tpu.memory_space<vmem>> -> memref<64x128xf32, #tpu.memory_space<vmem>>
      %dma_wait3A_40 = arith.constant 0 : i32
      %dma_wait3A_41 = tpu.memref_slice %arg7[%dma_wait3A_36, %dma_wait3A_40] : memref<2x64xi32, #tpu.memory_space<vmem>> -> memref<1x64xi32, #tpu.memory_space<vmem>>
      %dma_wait3A_42 = tpu.memref_squeeze %dma_wait3A_41 : memref<1x64xi32, #tpu.memory_space<vmem>> -> memref<64xi32, #tpu.memory_space<vmem>>
      %dma_wait3A_43 = arith.constant 0 : i32
      %dma_wait3A_44 = arith.constant 0 : i32
      %dma_wait3A_45 = tpu.memref_slice %arg10[%dma_wait3A_43, %dma_wait3A_44] : memref<10240x128xf32, #tpu.memory_space<vmem_shared>> -> memref<10240x128xf32, #tpu.memory_space<vmem_shared>>
      tpu.wait_indirect_dma semaphore(%arg16 : memref<!tpu.dma_semaphore, #tpu.memory_space<semaphore_mem>>) src(%dma_wait3A_39 : memref<64x128xf32, #tpu.memory_space<vmem>>) dst(%dma_wait3A_45 : memref<10240x128xf32, #tpu.memory_space<vmem_shared>>)
    } else {
    }
    %barrier3A_19 = arith.constant 0 : index
    tpu.barrier barrier_id(%barrier3A_19)
    %mul3A_20 = arith.constant 640 : i32
    %mul3A_21 = arith.muli %arg1, %mul3A_20 : i32
    %mul3A_22 = arith.constant 10240 : i32
    %mul3A_23 = arith.muli %arg0, %mul3A_22 : i32
    %mul3A_24 = arith.constant 640 : i32
    %mul3A_25 = arith.muli %arg1, %mul3A_24 : i32
    %add3A_26 = arith.addi %mul3A_23, %mul3A_25 : i32
    "tpu.region"() ({
      %run_scoped3A = tpu.sem_alloc : memref<!tpu.dma_semaphore, #tpu.memory_space<semaphore_mem>>
      %dma_start3A = arith.constant 0 : i32
      %dma_start3A_27 = tpu.memref_slice %arg5[%add3A_26, %dma_start3A] : memref<20480x128xf32, #tpu.memory_space<hbm>> -> memref<640x128xf32, #tpu.memory_space<hbm>>
      %dma_start3A_28 = arith.constant 0 : i32
      %dma_start3A_29 = tpu.memref_slice %arg10[%mul3A_21, %dma_start3A_28] : memref<10240x128xf32, #tpu.memory_space<vmem_shared>> -> memref<640x128xf32, #tpu.memory_space<vmem_shared>>
      tpu.enqueue_dma source(%dma_start3A_29 : memref<640x128xf32, #tpu.memory_space<vmem_shared>>) target(%dma_start3A_27 : memref<640x128xf32, #tpu.memory_space<hbm>>) target_semaphore(%run_scoped3A : memref<!tpu.dma_semaphore, #tpu.memory_space<semaphore_mem>>)
      %dma_wait3A = arith.constant 0 : i32
      %dma_wait3A_30 = tpu.memref_slice %arg5[%add3A_26, %dma_wait3A] : memref<20480x128xf32, #tpu.memory_space<hbm>> -> memref<640x128xf32, #tpu.memory_space<hbm>>
      %dma_wait3A_31 = arith.constant 0 : i32
      %dma_wait3A_32 = tpu.memref_slice %arg10[%mul3A_21, %dma_wait3A_31] : memref<10240x128xf32, #tpu.memory_space<vmem_shared>> -> memref<640x128xf32, #tpu.memory_space<vmem_shared>>
      tpu.wait_dma2 semaphore(%run_scoped3A : memref<!tpu.dma_semaphore, #tpu.memory_space<semaphore_mem>>) src(%dma_wait3A_32 : memref<640x128xf32, #tpu.memory_space<vmem_shared>>) dst(%dma_wait3A_30 : memref<640x128xf32, #tpu.memory_space<hbm>>)
      tpu.yield
    }) : () -> ()
    return
  }
}

#map = affine_map<(d0, d1) -> (0, 0)>
module attributes {stable_mosaic.version = 14 : i64} {
  func.func @_sc1b(%arg0: i32, %arg1: i32, %arg2: memref<2500x128xi32, #tpu.memory_space<hbm>>, %arg3: memref<2500x128xi32, #tpu.memory_space<hbm>>, %arg4: memref<10000x128xf32, #tpu.memory_space<hbm>>, %arg5: memref<640x128xf32, #tpu.memory_space<hbm>>, %arg6: memref<20480x128xf32, #tpu.memory_space<hbm>>, %arg7: memref<2x128xi32, #tpu.memory_space<vmem>>, %arg8: memref<2x128xi32, #tpu.memory_space<vmem>>, %arg9: memref<128x128xf32, #tpu.memory_space<vmem>>, %arg10: memref<128x128xf32, #tpu.memory_space<vmem>>, %arg11: memref<10240x128xf32, #tpu.memory_space<vmem_shared>>, %arg12: memref<!tpu.dma_semaphore, #tpu.memory_space<semaphore_mem>>, %arg13: memref<!tpu.dma_semaphore, #tpu.memory_space<semaphore_mem>>, %arg14: memref<!tpu.dma_semaphore, #tpu.memory_space<semaphore_mem>>, %arg15: memref<!tpu.dma_semaphore, #tpu.memory_space<semaphore_mem>>, %arg16: memref<!tpu.dma_semaphore, #tpu.memory_space<semaphore_mem>>, %arg17: memref<!tpu.dma_semaphore, #tpu.memory_space<semaphore_mem>>) attributes {dimension_semantics = [#tpu.dimension_semantics<core_parallel>, #tpu.dimension_semantics<subcore_parallel>], iteration_bounds = array<i64: 2, 16>, scalar_prefetch = 0 : i64, scratch_operands = 11 : i64, tpu.core_type = #tpu.core_type<sc_vector_subcore>, window_params = [{transform_indices = #map}, {transform_indices = #map}, {transform_indices = #map}, {transform_indices = #map}, {transform_indices = #map}]} {
    %mul3A = arith.constant 2 : i32
    %mul3A_0 = arith.muli %arg1, %mul3A : i32
    %add3A = arith.addi %mul3A_0, %arg0 : i32
    %mul3A_1 = arith.constant 640 : i32
    %mul3A_2 = arith.muli %arg1, %mul3A_1 : i32
    "tpu.region"() ({
      %run_scoped3A = tpu.sem_alloc : memref<!tpu.dma_semaphore, #tpu.memory_space<semaphore_mem>>
      %dma_start3A = arith.constant 0 : i32
      %dma_start3A_16 = tpu.memref_slice %arg11[%mul3A_2, %dma_start3A] : memref<10240x128xf32, #tpu.memory_space<vmem_shared>> -> memref<640x128xf32, #tpu.memory_space<vmem_shared>>
      tpu.enqueue_dma source(%arg5 : memref<640x128xf32, #tpu.memory_space<hbm>>) target(%dma_start3A_16 : memref<640x128xf32, #tpu.memory_space<vmem_shared>>) target_semaphore(%run_scoped3A : memref<!tpu.dma_semaphore, #tpu.memory_space<semaphore_mem>>)
      %dma_wait3A = arith.constant 0 : i32
      %dma_wait3A_17 = tpu.memref_slice %arg11[%mul3A_2, %dma_wait3A] : memref<10240x128xf32, #tpu.memory_space<vmem_shared>> -> memref<640x128xf32, #tpu.memory_space<vmem_shared>>
      tpu.wait_dma2 semaphore(%run_scoped3A : memref<!tpu.dma_semaphore, #tpu.memory_space<semaphore_mem>>) src(%arg5 : memref<640x128xf32, #tpu.memory_space<hbm>>) dst(%dma_wait3A_17 : memref<640x128xf32, #tpu.memory_space<vmem_shared>>)
      tpu.yield
    }) : () -> ()
    %barrier3A = arith.constant 0 : index
    tpu.barrier barrier_id(%barrier3A)
    %scan3A = arith.constant 0 : i32
    %scan3A_3 = arith.constant 0 : i32
    %scan3A_4 = arith.constant 40 : i32
    %scan3A_5 = arith.addi %scan3A_3, %scan3A_4 : i32
    %scan3A_6 = arith.constant 1 : i32
    scf.for %scan3A_16 = %scan3A_3 to %scan3A_5 step %scan3A_6  : i32 {
      %mul3A_17 = arith.constant 32 : i32
      %mul3A_18 = arith.muli %scan3A_16, %mul3A_17 : i32
      %add3A_19 = arith.addi %mul3A_18, %add3A : i32
      %lt3A = arith.constant 1250 : i32
      %lt3A_20 = arith.cmpi slt, %add3A_19, %lt3A : i32
      %convert_element_type3A = arith.extui %lt3A_20 : i1 to i32
      %cond3A = arith.constant 0 : i32
      %cond3A_21 = arith.cmpi ne, %convert_element_type3A, %cond3A : i32
      scf.if %cond3A_21 {
        %mul3A_22 = arith.constant 2 : i32
        %mul3A_23 = arith.muli %mul3A_22, %add3A_19 : i32
        %dma_start3A = arith.constant 0 : i32
        %dma_start3A_24 = tpu.memref_slice %arg2[%mul3A_23, %dma_start3A] : memref<2500x128xi32, #tpu.memory_space<hbm>> -> memref<2x128xi32, #tpu.memory_space<hbm>>
        %dma_start3A_25 = arith.constant 0 : i32
        %dma_start3A_26 = tpu.memref_slice %arg2[%mul3A_23, %dma_start3A_25] : memref<2500x128xi32, #tpu.memory_space<hbm>> -> memref<2x128xi32, #tpu.memory_space<hbm>>
        tpu.enqueue_dma source(%dma_start3A_26 : memref<2x128xi32, #tpu.memory_space<hbm>>) target(%arg7 : memref<2x128xi32, #tpu.memory_space<vmem>>) target_semaphore(%arg12 : memref<!tpu.dma_semaphore, #tpu.memory_space<semaphore_mem>>)
        %mul3A_27 = arith.constant 2 : i32
        %mul3A_28 = arith.muli %mul3A_27, %add3A_19 : i32
        %dma_start3A_29 = arith.constant 0 : i32
        %dma_start3A_30 = tpu.memref_slice %arg3[%mul3A_28, %dma_start3A_29] : memref<2500x128xi32, #tpu.memory_space<hbm>> -> memref<2x128xi32, #tpu.memory_space<hbm>>
        %dma_start3A_31 = arith.constant 0 : i32
        %dma_start3A_32 = tpu.memref_slice %arg3[%mul3A_28, %dma_start3A_31] : memref<2500x128xi32, #tpu.memory_space<hbm>> -> memref<2x128xi32, #tpu.memory_space<hbm>>
        tpu.enqueue_dma source(%dma_start3A_32 : memref<2x128xi32, #tpu.memory_space<hbm>>) target(%arg8 : memref<2x128xi32, #tpu.memory_space<vmem>>) target_semaphore(%arg13 : memref<!tpu.dma_semaphore, #tpu.memory_space<semaphore_mem>>)
        %dma_wait3A = arith.constant 0 : i32
        %dma_wait3A_33 = tpu.memref_slice %arg2[%mul3A_23, %dma_wait3A] : memref<2500x128xi32, #tpu.memory_space<hbm>> -> memref<2x128xi32, #tpu.memory_space<hbm>>
        %dma_wait3A_34 = arith.constant 0 : i32
        %dma_wait3A_35 = tpu.memref_slice %arg2[%mul3A_23, %dma_wait3A_34] : memref<2500x128xi32, #tpu.memory_space<hbm>> -> memref<2x128xi32, #tpu.memory_space<hbm>>
        tpu.wait_dma2 semaphore(%arg12 : memref<!tpu.dma_semaphore, #tpu.memory_space<semaphore_mem>>) src(%dma_wait3A_35 : memref<2x128xi32, #tpu.memory_space<hbm>>) dst(%arg7 : memref<2x128xi32, #tpu.memory_space<vmem>>)
        %dma_start3A_36 = arith.constant 0 : i32
        %dma_start3A_37 = arith.constant 0 : i32
        %dma_start3A_38 = tpu.memref_slice %arg7[%dma_start3A_36, %dma_start3A_37] : memref<2x128xi32, #tpu.memory_space<vmem>> -> memref<1x128xi32, #tpu.memory_space<vmem>>
        %dma_start3A_39 = tpu.memref_squeeze %dma_start3A_38 : memref<1x128xi32, #tpu.memory_space<vmem>> -> memref<128xi32, #tpu.memory_space<vmem>>
        %dma_start3A_40 = arith.constant 0 : i32
        %dma_start3A_41 = arith.constant 0 : i32
        %dma_start3A_42 = tpu.memref_slice %arg4[%dma_start3A_40, %dma_start3A_41] : memref<10000x128xf32, #tpu.memory_space<hbm>> -> memref<10000x128xf32, #tpu.memory_space<hbm>>
        tpu.enqueue_indirect_dma source(%dma_start3A_42 : memref<10000x128xf32, #tpu.memory_space<hbm>>) target(%arg9 : memref<128x128xf32, #tpu.memory_space<vmem>>) offsets(%dma_start3A_39 : memref<128xi32, #tpu.memory_space<vmem>>) semaphore(%arg14 : memref<!tpu.dma_semaphore, #tpu.memory_space<semaphore_mem>>)
        %dma_start3A_43 = arith.constant 1 : i32
        %dma_start3A_44 = arith.constant 0 : i32
        %dma_start3A_45 = tpu.memref_slice %arg7[%dma_start3A_43, %dma_start3A_44] : memref<2x128xi32, #tpu.memory_space<vmem>> -> memref<1x128xi32, #tpu.memory_space<vmem>>
        %dma_start3A_46 = tpu.memref_squeeze %dma_start3A_45 : memref<1x128xi32, #tpu.memory_space<vmem>> -> memref<128xi32, #tpu.memory_space<vmem>>
        %dma_start3A_47 = arith.constant 0 : i32
        %dma_start3A_48 = arith.constant 0 : i32
        %dma_start3A_49 = tpu.memref_slice %arg4[%dma_start3A_47, %dma_start3A_48] : memref<10000x128xf32, #tpu.memory_space<hbm>> -> memref<10000x128xf32, #tpu.memory_space<hbm>>
        tpu.enqueue_indirect_dma source(%dma_start3A_49 : memref<10000x128xf32, #tpu.memory_space<hbm>>) target(%arg10 : memref<128x128xf32, #tpu.memory_space<vmem>>) offsets(%dma_start3A_46 : memref<128xi32, #tpu.memory_space<vmem>>) semaphore(%arg15 : memref<!tpu.dma_semaphore, #tpu.memory_space<semaphore_mem>>)
        %dma_wait3A_50 = arith.constant 0 : i32
        %dma_wait3A_51 = tpu.memref_slice %arg3[%mul3A_28, %dma_wait3A_50] : memref<2500x128xi32, #tpu.memory_space<hbm>> -> memref<2x128xi32, #tpu.memory_space<hbm>>
        %dma_wait3A_52 = arith.constant 0 : i32
        %dma_wait3A_53 = tpu.memref_slice %arg3[%mul3A_28, %dma_wait3A_52] : memref<2500x128xi32, #tpu.memory_space<hbm>> -> memref<2x128xi32, #tpu.memory_space<hbm>>
        tpu.wait_dma2 semaphore(%arg13 : memref<!tpu.dma_semaphore, #tpu.memory_space<semaphore_mem>>) src(%dma_wait3A_53 : memref<2x128xi32, #tpu.memory_space<hbm>>) dst(%arg8 : memref<2x128xi32, #tpu.memory_space<vmem>>)
        %dma_wait3A_54 = arith.constant 0 : i32
        %dma_wait3A_55 = arith.constant 0 : i32
        %dma_wait3A_56 = tpu.memref_slice %arg7[%dma_wait3A_54, %dma_wait3A_55] : memref<2x128xi32, #tpu.memory_space<vmem>> -> memref<1x128xi32, #tpu.memory_space<vmem>>
        %dma_wait3A_57 = tpu.memref_squeeze %dma_wait3A_56 : memref<1x128xi32, #tpu.memory_space<vmem>> -> memref<128xi32, #tpu.memory_space<vmem>>
        %dma_wait3A_58 = arith.constant 0 : i32
        %dma_wait3A_59 = arith.constant 0 : i32
        %dma_wait3A_60 = tpu.memref_slice %arg4[%dma_wait3A_58, %dma_wait3A_59] : memref<10000x128xf32, #tpu.memory_space<hbm>> -> memref<10000x128xf32, #tpu.memory_space<hbm>>
        tpu.wait_indirect_dma semaphore(%arg14 : memref<!tpu.dma_semaphore, #tpu.memory_space<semaphore_mem>>) src(%dma_wait3A_60 : memref<10000x128xf32, #tpu.memory_space<hbm>>) dst(%arg9 : memref<128x128xf32, #tpu.memory_space<vmem>>)
        %dma_start3A_61 = arith.constant 0 : i32
        %dma_start3A_62 = arith.constant 0 : i32
        %dma_start3A_63 = tpu.memref_slice %arg8[%dma_start3A_61, %dma_start3A_62] : memref<2x128xi32, #tpu.memory_space<vmem>> -> memref<1x128xi32, #tpu.memory_space<vmem>>
        %dma_start3A_64 = tpu.memref_squeeze %dma_start3A_63 : memref<1x128xi32, #tpu.memory_space<vmem>> -> memref<128xi32, #tpu.memory_space<vmem>>
        %dma_start3A_65 = arith.constant 0 : i32
        %dma_start3A_66 = arith.constant 0 : i32
        %dma_start3A_67 = tpu.memref_slice %arg11[%dma_start3A_65, %dma_start3A_66] : memref<10240x128xf32, #tpu.memory_space<vmem_shared>> -> memref<10240x128xf32, #tpu.memory_space<vmem_shared>>
        tpu.enqueue_indirect_dma source(%arg9 : memref<128x128xf32, #tpu.memory_space<vmem>>) target(%dma_start3A_67 : memref<10240x128xf32, #tpu.memory_space<vmem_shared>>) offsets(%dma_start3A_64 : memref<128xi32, #tpu.memory_space<vmem>>) semaphore(%arg16 : memref<!tpu.dma_semaphore, #tpu.memory_space<semaphore_mem>>) {add = true}
        %dma_wait3A_68 = arith.constant 1 : i32
        %dma_wait3A_69 = arith.constant 0 : i32
        %dma_wait3A_70 = tpu.memref_slice %arg7[%dma_wait3A_68, %dma_wait3A_69] : memref<2x128xi32, #tpu.memory_space<vmem>> -> memref<1x128xi32, #tpu.memory_space<vmem>>
        %dma_wait3A_71 = tpu.memref_squeeze %dma_wait3A_70 : memref<1x128xi32, #tpu.memory_space<vmem>> -> memref<128xi32, #tpu.memory_space<vmem>>
        %dma_wait3A_72 = arith.constant 0 : i32
        %dma_wait3A_73 = arith.constant 0 : i32
        %dma_wait3A_74 = tpu.memref_slice %arg4[%dma_wait3A_72, %dma_wait3A_73] : memref<10000x128xf32, #tpu.memory_space<hbm>> -> memref<10000x128xf32, #tpu.memory_space<hbm>>
        tpu.wait_indirect_dma semaphore(%arg15 : memref<!tpu.dma_semaphore, #tpu.memory_space<semaphore_mem>>) src(%dma_wait3A_74 : memref<10000x128xf32, #tpu.memory_space<hbm>>) dst(%arg10 : memref<128x128xf32, #tpu.memory_space<vmem>>)
        %dma_start3A_75 = arith.constant 1 : i32
        %dma_start3A_76 = arith.constant 0 : i32
        %dma_start3A_77 = tpu.memref_slice %arg8[%dma_start3A_75, %dma_start3A_76] : memref<2x128xi32, #tpu.memory_space<vmem>> -> memref<1x128xi32, #tpu.memory_space<vmem>>
        %dma_start3A_78 = tpu.memref_squeeze %dma_start3A_77 : memref<1x128xi32, #tpu.memory_space<vmem>> -> memref<128xi32, #tpu.memory_space<vmem>>
        %dma_start3A_79 = arith.constant 0 : i32
        %dma_start3A_80 = arith.constant 0 : i32
        %dma_start3A_81 = tpu.memref_slice %arg11[%dma_start3A_79, %dma_start3A_80] : memref<10240x128xf32, #tpu.memory_space<vmem_shared>> -> memref<10240x128xf32, #tpu.memory_space<vmem_shared>>
        tpu.enqueue_indirect_dma source(%arg10 : memref<128x128xf32, #tpu.memory_space<vmem>>) target(%dma_start3A_81 : memref<10240x128xf32, #tpu.memory_space<vmem_shared>>) offsets(%dma_start3A_78 : memref<128xi32, #tpu.memory_space<vmem>>) semaphore(%arg17 : memref<!tpu.dma_semaphore, #tpu.memory_space<semaphore_mem>>) {add = true}
        %dma_wait3A_82 = arith.constant 0 : i32
        %dma_wait3A_83 = arith.constant 0 : i32
        %dma_wait3A_84 = tpu.memref_slice %arg8[%dma_wait3A_82, %dma_wait3A_83] : memref<2x128xi32, #tpu.memory_space<vmem>> -> memref<1x128xi32, #tpu.memory_space<vmem>>
        %dma_wait3A_85 = tpu.memref_squeeze %dma_wait3A_84 : memref<1x128xi32, #tpu.memory_space<vmem>> -> memref<128xi32, #tpu.memory_space<vmem>>
        %dma_wait3A_86 = arith.constant 0 : i32
        %dma_wait3A_87 = arith.constant 0 : i32
        %dma_wait3A_88 = tpu.memref_slice %arg11[%dma_wait3A_86, %dma_wait3A_87] : memref<10240x128xf32, #tpu.memory_space<vmem_shared>> -> memref<10240x128xf32, #tpu.memory_space<vmem_shared>>
        tpu.wait_indirect_dma semaphore(%arg16 : memref<!tpu.dma_semaphore, #tpu.memory_space<semaphore_mem>>) src(%arg9 : memref<128x128xf32, #tpu.memory_space<vmem>>) dst(%dma_wait3A_88 : memref<10240x128xf32, #tpu.memory_space<vmem_shared>>)
        %dma_wait3A_89 = arith.constant 1 : i32
        %dma_wait3A_90 = arith.constant 0 : i32
        %dma_wait3A_91 = tpu.memref_slice %arg8[%dma_wait3A_89, %dma_wait3A_90] : memref<2x128xi32, #tpu.memory_space<vmem>> -> memref<1x128xi32, #tpu.memory_space<vmem>>
        %dma_wait3A_92 = tpu.memref_squeeze %dma_wait3A_91 : memref<1x128xi32, #tpu.memory_space<vmem>> -> memref<128xi32, #tpu.memory_space<vmem>>
        %dma_wait3A_93 = arith.constant 0 : i32
        %dma_wait3A_94 = arith.constant 0 : i32
        %dma_wait3A_95 = tpu.memref_slice %arg11[%dma_wait3A_93, %dma_wait3A_94] : memref<10240x128xf32, #tpu.memory_space<vmem_shared>> -> memref<10240x128xf32, #tpu.memory_space<vmem_shared>>
        tpu.wait_indirect_dma semaphore(%arg17 : memref<!tpu.dma_semaphore, #tpu.memory_space<semaphore_mem>>) src(%arg10 : memref<128x128xf32, #tpu.memory_space<vmem>>) dst(%dma_wait3A_95 : memref<10240x128xf32, #tpu.memory_space<vmem_shared>>)
      } else {
      }
    }
    %scan3A_7 = arith.constant 40 : i32
    %barrier3A_8 = arith.constant 0 : index
    tpu.barrier barrier_id(%barrier3A_8)
    %mul3A_9 = arith.constant 640 : i32
    %mul3A_10 = arith.muli %arg1, %mul3A_9 : i32
    %mul3A_11 = arith.constant 10240 : i32
    %mul3A_12 = arith.muli %arg0, %mul3A_11 : i32
    %mul3A_13 = arith.constant 640 : i32
    %mul3A_14 = arith.muli %arg1, %mul3A_13 : i32
    %add3A_15 = arith.addi %mul3A_12, %mul3A_14 : i32
    "tpu.region"() ({
      %run_scoped3A = tpu.sem_alloc : memref<!tpu.dma_semaphore, #tpu.memory_space<semaphore_mem>>
      %dma_start3A = arith.constant 0 : i32
      %dma_start3A_16 = tpu.memref_slice %arg6[%add3A_15, %dma_start3A] : memref<20480x128xf32, #tpu.memory_space<hbm>> -> memref<640x128xf32, #tpu.memory_space<hbm>>
      %dma_start3A_17 = arith.constant 0 : i32
      %dma_start3A_18 = tpu.memref_slice %arg11[%mul3A_10, %dma_start3A_17] : memref<10240x128xf32, #tpu.memory_space<vmem_shared>> -> memref<640x128xf32, #tpu.memory_space<vmem_shared>>
      tpu.enqueue_dma source(%dma_start3A_18 : memref<640x128xf32, #tpu.memory_space<vmem_shared>>) target(%dma_start3A_16 : memref<640x128xf32, #tpu.memory_space<hbm>>) target_semaphore(%run_scoped3A : memref<!tpu.dma_semaphore, #tpu.memory_space<semaphore_mem>>)
      %dma_wait3A = arith.constant 0 : i32
      %dma_wait3A_19 = tpu.memref_slice %arg6[%add3A_15, %dma_wait3A] : memref<20480x128xf32, #tpu.memory_space<hbm>> -> memref<640x128xf32, #tpu.memory_space<hbm>>
      %dma_wait3A_20 = arith.constant 0 : i32
      %dma_wait3A_21 = tpu.memref_slice %arg11[%mul3A_10, %dma_wait3A_20] : memref<10240x128xf32, #tpu.memory_space<vmem_shared>> -> memref<640x128xf32, #tpu.memory_space<vmem_shared>>
      tpu.wait_dma2 semaphore(%run_scoped3A : memref<!tpu.dma_semaphore, #tpu.memory_space<semaphore_mem>>) src(%dma_wait3A_21 : memref<640x128xf32, #tpu.memory_space<vmem_shared>>) dst(%dma_wait3A_19 : memref<640x128xf32, #tpu.memory_space<hbm>>)
      tpu.yield
    }) : () -> ()
    return
  }
}

#map = affine_map<(d0, d1) -> (0, 0)>
module attributes {stable_mosaic.version = 14 : i64} {
  func.func @_sc1a(%arg0: i32, %arg1: i32, %arg2: memref<2500x128xi32, #tpu.memory_space<hbm>>, %arg3: memref<2500x128xi32, #tpu.memory_space<hbm>>, %arg4: memref<10000x128xf32, #tpu.memory_space<hbm>>, %arg5: memref<10000x128xf32, #tpu.memory_space<hbm>>, %arg6: memref<320000x128xf32, #tpu.memory_space<hbm>>, %arg7: memref<2x128xi32, #tpu.memory_space<vmem>>, %arg8: memref<2x128xi32, #tpu.memory_space<vmem>>, %arg9: memref<2x128xi32, #tpu.memory_space<vmem>>, %arg10: memref<2x128xi32, #tpu.memory_space<vmem>>, %arg11: memref<128x128xf32, #tpu.memory_space<vmem>>, %arg12: memref<128x128xf32, #tpu.memory_space<vmem>>, %arg13: memref<128x128xf32, #tpu.memory_space<vmem>>, %arg14: memref<128x128xf32, #tpu.memory_space<vmem>>, %arg15: memref<!tpu.dma_semaphore, #tpu.memory_space<semaphore_mem>>, %arg16: memref<!tpu.dma_semaphore, #tpu.memory_space<semaphore_mem>>, %arg17: memref<!tpu.dma_semaphore, #tpu.memory_space<semaphore_mem>>, %arg18: memref<!tpu.dma_semaphore, #tpu.memory_space<semaphore_mem>>, %arg19: memref<!tpu.dma_semaphore, #tpu.memory_space<semaphore_mem>>, %arg20: memref<!tpu.dma_semaphore, #tpu.memory_space<semaphore_mem>>, %arg21: memref<!tpu.dma_semaphore, #tpu.memory_space<semaphore_mem>>, %arg22: memref<!tpu.dma_semaphore, #tpu.memory_space<semaphore_mem>>, %arg23: memref<!tpu.dma_semaphore, #tpu.memory_space<semaphore_mem>>, %arg24: memref<!tpu.dma_semaphore, #tpu.memory_space<semaphore_mem>>, %arg25: memref<!tpu.dma_semaphore, #tpu.memory_space<semaphore_mem>>, %arg26: memref<!tpu.dma_semaphore, #tpu.memory_space<semaphore_mem>>) attributes {dimension_semantics = [#tpu.dimension_semantics<core_parallel>, #tpu.dimension_semantics<subcore_parallel>], iteration_bounds = array<i64: 2, 16>, scalar_prefetch = 0 : i64, scratch_operands = 20 : i64, tpu.core_type = #tpu.core_type<sc_vector_subcore>, window_params = [{transform_indices = #map}, {transform_indices = #map}, {transform_indices = #map}, {transform_indices = #map}, {transform_indices = #map}]} {
    %mul3A = arith.constant 2 : i32
    %mul3A_0 = arith.muli %arg1, %mul3A : i32
    %add3A = arith.addi %mul3A_0, %arg0 : i32
    %scan3A = arith.constant 0 : i32
    %scan3A_1 = arith.constant 0 : i32
    %scan3A_2 = arith.constant 20 : i32
    %scan3A_3 = arith.addi %scan3A_1, %scan3A_2 : i32
    %scan3A_4 = arith.constant 1 : i32
    scf.for %scan3A_6 = %scan3A_1 to %scan3A_3 step %scan3A_4  : i32 {
      %mul3A_7 = arith.constant 2 : i32
      %mul3A_8 = arith.muli %mul3A_7, %scan3A_6 : i32
      %mul3A_9 = arith.constant 32 : i32
      %mul3A_10 = arith.muli %mul3A_8, %mul3A_9 : i32
      %add3A_11 = arith.addi %mul3A_10, %add3A : i32
      %mul3A_12 = arith.constant 2 : i32
      %mul3A_13 = arith.muli %mul3A_12, %scan3A_6 : i32
      %add3A_14 = arith.constant 1 : i32
      %add3A_15 = arith.addi %mul3A_13, %add3A_14 : i32
      %mul3A_16 = arith.constant 32 : i32
      %mul3A_17 = arith.muli %add3A_15, %mul3A_16 : i32
      %add3A_18 = arith.addi %mul3A_17, %add3A : i32
      %lt3A = arith.constant 1250 : i32
      %lt3A_19 = arith.cmpi slt, %add3A_11, %lt3A : i32
      %convert_element_type3A = arith.extui %lt3A_19 : i1 to i32
      %cond3A = arith.constant 0 : i32
      %cond3A_20 = arith.cmpi ne, %convert_element_type3A, %cond3A : i32
      scf.if %cond3A_20 {
        %mul3A_21 = arith.constant 2 : i32
        %mul3A_22 = arith.muli %mul3A_21, %add3A_11 : i32
        %dma_start3A = arith.constant 0 : i32
        %dma_start3A_23 = tpu.memref_slice %arg2[%mul3A_22, %dma_start3A] : memref<2500x128xi32, #tpu.memory_space<hbm>> -> memref<2x128xi32, #tpu.memory_space<hbm>>
        %dma_start3A_24 = arith.constant 0 : i32
        %dma_start3A_25 = tpu.memref_slice %arg2[%mul3A_22, %dma_start3A_24] : memref<2500x128xi32, #tpu.memory_space<hbm>> -> memref<2x128xi32, #tpu.memory_space<hbm>>
        tpu.enqueue_dma source(%dma_start3A_25 : memref<2x128xi32, #tpu.memory_space<hbm>>) target(%arg7 : memref<2x128xi32, #tpu.memory_space<vmem>>) target_semaphore(%arg15 : memref<!tpu.dma_semaphore, #tpu.memory_space<semaphore_mem>>)
        %mul3A_26 = arith.constant 2 : i32
        %mul3A_27 = arith.muli %mul3A_26, %add3A_11 : i32
        %dma_start3A_28 = arith.constant 0 : i32
        %dma_start3A_29 = tpu.memref_slice %arg3[%mul3A_27, %dma_start3A_28] : memref<2500x128xi32, #tpu.memory_space<hbm>> -> memref<2x128xi32, #tpu.memory_space<hbm>>
        %dma_start3A_30 = arith.constant 0 : i32
        %dma_start3A_31 = tpu.memref_slice %arg3[%mul3A_27, %dma_start3A_30] : memref<2500x128xi32, #tpu.memory_space<hbm>> -> memref<2x128xi32, #tpu.memory_space<hbm>>
        tpu.enqueue_dma source(%dma_start3A_31 : memref<2x128xi32, #tpu.memory_space<hbm>>) target(%arg8 : memref<2x128xi32, #tpu.memory_space<vmem>>) target_semaphore(%arg16 : memref<!tpu.dma_semaphore, #tpu.memory_space<semaphore_mem>>)
        %lt3A_32 = arith.constant 1250 : i32
        %lt3A_33 = arith.cmpi slt, %add3A_18, %lt3A_32 : i32
        %convert_element_type3A_34 = arith.extui %lt3A_33 : i1 to i32
        %cond3A_35 = arith.constant 0 : i32
        %cond3A_36 = arith.cmpi ne, %convert_element_type3A_34, %cond3A_35 : i32
        scf.if %cond3A_36 {
          %mul3A_146 = arith.constant 2 : i32
          %mul3A_147 = arith.muli %mul3A_146, %add3A_18 : i32
          %dma_start3A_148 = arith.constant 0 : i32
          %dma_start3A_149 = tpu.memref_slice %arg2[%mul3A_147, %dma_start3A_148] : memref<2500x128xi32, #tpu.memory_space<hbm>> -> memref<2x128xi32, #tpu.memory_space<hbm>>
          %dma_start3A_150 = arith.constant 0 : i32
          %dma_start3A_151 = tpu.memref_slice %arg2[%mul3A_147, %dma_start3A_150] : memref<2500x128xi32, #tpu.memory_space<hbm>> -> memref<2x128xi32, #tpu.memory_space<hbm>>
          tpu.enqueue_dma source(%dma_start3A_151 : memref<2x128xi32, #tpu.memory_space<hbm>>) target(%arg9 : memref<2x128xi32, #tpu.memory_space<vmem>>) target_semaphore(%arg17 : memref<!tpu.dma_semaphore, #tpu.memory_space<semaphore_mem>>)
          %mul3A_152 = arith.constant 2 : i32
          %mul3A_153 = arith.muli %mul3A_152, %add3A_18 : i32
          %dma_start3A_154 = arith.constant 0 : i32
          %dma_start3A_155 = tpu.memref_slice %arg3[%mul3A_153, %dma_start3A_154] : memref<2500x128xi32, #tpu.memory_space<hbm>> -> memref<2x128xi32, #tpu.memory_space<hbm>>
          %dma_start3A_156 = arith.constant 0 : i32
          %dma_start3A_157 = tpu.memref_slice %arg3[%mul3A_153, %dma_start3A_156] : memref<2500x128xi32, #tpu.memory_space<hbm>> -> memref<2x128xi32, #tpu.memory_space<hbm>>
          tpu.enqueue_dma source(%dma_start3A_157 : memref<2x128xi32, #tpu.memory_space<hbm>>) target(%arg10 : memref<2x128xi32, #tpu.memory_space<vmem>>) target_semaphore(%arg18 : memref<!tpu.dma_semaphore, #tpu.memory_space<semaphore_mem>>)
        } else {
        }
        %dma_wait3A = arith.constant 0 : i32
        %dma_wait3A_37 = tpu.memref_slice %arg2[%mul3A_22, %dma_wait3A] : memref<2500x128xi32, #tpu.memory_space<hbm>> -> memref<2x128xi32, #tpu.memory_space<hbm>>
        %dma_wait3A_38 = arith.constant 0 : i32
        %dma_wait3A_39 = tpu.memref_slice %arg2[%mul3A_22, %dma_wait3A_38] : memref<2500x128xi32, #tpu.memory_space<hbm>> -> memref<2x128xi32, #tpu.memory_space<hbm>>
        tpu.wait_dma2 semaphore(%arg15 : memref<!tpu.dma_semaphore, #tpu.memory_space<semaphore_mem>>) src(%dma_wait3A_39 : memref<2x128xi32, #tpu.memory_space<hbm>>) dst(%arg7 : memref<2x128xi32, #tpu.memory_space<vmem>>)
        %dma_start3A_40 = arith.constant 0 : i32
        %dma_start3A_41 = arith.constant 0 : i32
        %dma_start3A_42 = tpu.memref_slice %arg7[%dma_start3A_40, %dma_start3A_41] : memref<2x128xi32, #tpu.memory_space<vmem>> -> memref<1x128xi32, #tpu.memory_space<vmem>>
        %dma_start3A_43 = tpu.memref_squeeze %dma_start3A_42 : memref<1x128xi32, #tpu.memory_space<vmem>> -> memref<128xi32, #tpu.memory_space<vmem>>
        %dma_start3A_44 = arith.constant 0 : i32
        %dma_start3A_45 = arith.constant 0 : i32
        %dma_start3A_46 = tpu.memref_slice %arg4[%dma_start3A_44, %dma_start3A_45] : memref<10000x128xf32, #tpu.memory_space<hbm>> -> memref<10000x128xf32, #tpu.memory_space<hbm>>
        tpu.enqueue_indirect_dma source(%dma_start3A_46 : memref<10000x128xf32, #tpu.memory_space<hbm>>) target(%arg11 : memref<128x128xf32, #tpu.memory_space<vmem>>) offsets(%dma_start3A_43 : memref<128xi32, #tpu.memory_space<vmem>>) semaphore(%arg19 : memref<!tpu.dma_semaphore, #tpu.memory_space<semaphore_mem>>)
        %dma_start3A_47 = arith.constant 1 : i32
        %dma_start3A_48 = arith.constant 0 : i32
        %dma_start3A_49 = tpu.memref_slice %arg7[%dma_start3A_47, %dma_start3A_48] : memref<2x128xi32, #tpu.memory_space<vmem>> -> memref<1x128xi32, #tpu.memory_space<vmem>>
        %dma_start3A_50 = tpu.memref_squeeze %dma_start3A_49 : memref<1x128xi32, #tpu.memory_space<vmem>> -> memref<128xi32, #tpu.memory_space<vmem>>
        %dma_start3A_51 = arith.constant 0 : i32
        %dma_start3A_52 = arith.constant 0 : i32
        %dma_start3A_53 = tpu.memref_slice %arg4[%dma_start3A_51, %dma_start3A_52] : memref<10000x128xf32, #tpu.memory_space<hbm>> -> memref<10000x128xf32, #tpu.memory_space<hbm>>
        tpu.enqueue_indirect_dma source(%dma_start3A_53 : memref<10000x128xf32, #tpu.memory_space<hbm>>) target(%arg12 : memref<128x128xf32, #tpu.memory_space<vmem>>) offsets(%dma_start3A_50 : memref<128xi32, #tpu.memory_space<vmem>>) semaphore(%arg20 : memref<!tpu.dma_semaphore, #tpu.memory_space<semaphore_mem>>)
        %lt3A_54 = arith.constant 1250 : i32
        %lt3A_55 = arith.cmpi slt, %add3A_18, %lt3A_54 : i32
        %convert_element_type3A_56 = arith.extui %lt3A_55 : i1 to i32
        %cond3A_57 = arith.constant 0 : i32
        %cond3A_58 = arith.cmpi ne, %convert_element_type3A_56, %cond3A_57 : i32
        scf.if %cond3A_58 {
          %mul3A_146 = arith.constant 2 : i32
          %mul3A_147 = arith.muli %mul3A_146, %add3A_18 : i32
          %dma_wait3A_148 = arith.constant 0 : i32
          %dma_wait3A_149 = tpu.memref_slice %arg2[%mul3A_147, %dma_wait3A_148] : memref<2500x128xi32, #tpu.memory_space<hbm>> -> memref<2x128xi32, #tpu.memory_space<hbm>>
          %dma_wait3A_150 = arith.constant 0 : i32
          %dma_wait3A_151 = tpu.memref_slice %arg2[%mul3A_147, %dma_wait3A_150] : memref<2500x128xi32, #tpu.memory_space<hbm>> -> memref<2x128xi32, #tpu.memory_space<hbm>>
          tpu.wait_dma2 semaphore(%arg17 : memref<!tpu.dma_semaphore, #tpu.memory_space<semaphore_mem>>) src(%dma_wait3A_151 : memref<2x128xi32, #tpu.memory_space<hbm>>) dst(%arg9 : memref<2x128xi32, #tpu.memory_space<vmem>>)
          %dma_start3A_152 = arith.constant 0 : i32
          %dma_start3A_153 = arith.constant 0 : i32
          %dma_start3A_154 = tpu.memref_slice %arg9[%dma_start3A_152, %dma_start3A_153] : memref<2x128xi32, #tpu.memory_space<vmem>> -> memref<1x128xi32, #tpu.memory_space<vmem>>
          %dma_start3A_155 = tpu.memref_squeeze %dma_start3A_154 : memref<1x128xi32, #tpu.memory_space<vmem>> -> memref<128xi32, #tpu.memory_space<vmem>>
          %dma_start3A_156 = arith.constant 0 : i32
          %dma_start3A_157 = arith.constant 0 : i32
          %dma_start3A_158 = tpu.memref_slice %arg4[%dma_start3A_156, %dma_start3A_157] : memref<10000x128xf32, #tpu.memory_space<hbm>> -> memref<10000x128xf32, #tpu.memory_space<hbm>>
          tpu.enqueue_indirect_dma source(%dma_start3A_158 : memref<10000x128xf32, #tpu.memory_space<hbm>>) target(%arg13 : memref<128x128xf32, #tpu.memory_space<vmem>>) offsets(%dma_start3A_155 : memref<128xi32, #tpu.memory_space<vmem>>) semaphore(%arg21 : memref<!tpu.dma_semaphore, #tpu.memory_space<semaphore_mem>>)
          %dma_start3A_159 = arith.constant 1 : i32
          %dma_start3A_160 = arith.constant 0 : i32
          %dma_start3A_161 = tpu.memref_slice %arg9[%dma_start3A_159, %dma_start3A_160] : memref<2x128xi32, #tpu.memory_space<vmem>> -> memref<1x128xi32, #tpu.memory_space<vmem>>
          %dma_start3A_162 = tpu.memref_squeeze %dma_start3A_161 : memref<1x128xi32, #tpu.memory_space<vmem>> -> memref<128xi32, #tpu.memory_space<vmem>>
          %dma_start3A_163 = arith.constant 0 : i32
          %dma_start3A_164 = arith.constant 0 : i32
          %dma_start3A_165 = tpu.memref_slice %arg4[%dma_start3A_163, %dma_start3A_164] : memref<10000x128xf32, #tpu.memory_space<hbm>> -> memref<10000x128xf32, #tpu.memory_space<hbm>>
          tpu.enqueue_indirect_dma source(%dma_start3A_165 : memref<10000x128xf32, #tpu.memory_space<hbm>>) target(%arg14 : memref<128x128xf32, #tpu.memory_space<vmem>>) offsets(%dma_start3A_162 : memref<128xi32, #tpu.memory_space<vmem>>) semaphore(%arg22 : memref<!tpu.dma_semaphore, #tpu.memory_space<semaphore_mem>>)
        } else {
        }
        %dma_wait3A_59 = arith.constant 0 : i32
        %dma_wait3A_60 = tpu.memref_slice %arg3[%mul3A_27, %dma_wait3A_59] : memref<2500x128xi32, #tpu.memory_space<hbm>> -> memref<2x128xi32, #tpu.memory_space<hbm>>
        %dma_wait3A_61 = arith.constant 0 : i32
        %dma_wait3A_62 = tpu.memref_slice %arg3[%mul3A_27, %dma_wait3A_61] : memref<2500x128xi32, #tpu.memory_space<hbm>> -> memref<2x128xi32, #tpu.memory_space<hbm>>
        tpu.wait_dma2 semaphore(%arg16 : memref<!tpu.dma_semaphore, #tpu.memory_space<semaphore_mem>>) src(%dma_wait3A_62 : memref<2x128xi32, #tpu.memory_space<hbm>>) dst(%arg8 : memref<2x128xi32, #tpu.memory_space<vmem>>)
        %dma_wait3A_63 = arith.constant 0 : i32
        %dma_wait3A_64 = arith.constant 0 : i32
        %dma_wait3A_65 = tpu.memref_slice %arg7[%dma_wait3A_63, %dma_wait3A_64] : memref<2x128xi32, #tpu.memory_space<vmem>> -> memref<1x128xi32, #tpu.memory_space<vmem>>
        %dma_wait3A_66 = tpu.memref_squeeze %dma_wait3A_65 : memref<1x128xi32, #tpu.memory_space<vmem>> -> memref<128xi32, #tpu.memory_space<vmem>>
        %dma_wait3A_67 = arith.constant 0 : i32
        %dma_wait3A_68 = arith.constant 0 : i32
        %dma_wait3A_69 = tpu.memref_slice %arg4[%dma_wait3A_67, %dma_wait3A_68] : memref<10000x128xf32, #tpu.memory_space<hbm>> -> memref<10000x128xf32, #tpu.memory_space<hbm>>
        tpu.wait_indirect_dma semaphore(%arg19 : memref<!tpu.dma_semaphore, #tpu.memory_space<semaphore_mem>>) src(%dma_wait3A_69 : memref<10000x128xf32, #tpu.memory_space<hbm>>) dst(%arg11 : memref<128x128xf32, #tpu.memory_space<vmem>>)
        %dma_start3A_70 = arith.constant 0 : i32
        %dma_start3A_71 = arith.constant 0 : i32
        %dma_start3A_72 = tpu.memref_slice %arg8[%dma_start3A_70, %dma_start3A_71] : memref<2x128xi32, #tpu.memory_space<vmem>> -> memref<1x128xi32, #tpu.memory_space<vmem>>
        %dma_start3A_73 = tpu.memref_squeeze %dma_start3A_72 : memref<1x128xi32, #tpu.memory_space<vmem>> -> memref<128xi32, #tpu.memory_space<vmem>>
        %dma_start3A_74 = arith.constant 0 : i32
        %dma_start3A_75 = arith.constant 0 : i32
        %dma_start3A_76 = tpu.memref_slice %arg5[%dma_start3A_74, %dma_start3A_75] : memref<10000x128xf32, #tpu.memory_space<hbm>> -> memref<10000x128xf32, #tpu.memory_space<hbm>>
        tpu.enqueue_indirect_dma source(%dma_start3A_76 : memref<10000x128xf32, #tpu.memory_space<hbm>>) target(%arg11 : memref<128x128xf32, #tpu.memory_space<vmem>>) offsets(%dma_start3A_73 : memref<128xi32, #tpu.memory_space<vmem>>) semaphore(%arg19 : memref<!tpu.dma_semaphore, #tpu.memory_space<semaphore_mem>>) {add = true}
        %dma_wait3A_77 = arith.constant 1 : i32
        %dma_wait3A_78 = arith.constant 0 : i32
        %dma_wait3A_79 = tpu.memref_slice %arg7[%dma_wait3A_77, %dma_wait3A_78] : memref<2x128xi32, #tpu.memory_space<vmem>> -> memref<1x128xi32, #tpu.memory_space<vmem>>
        %dma_wait3A_80 = tpu.memref_squeeze %dma_wait3A_79 : memref<1x128xi32, #tpu.memory_space<vmem>> -> memref<128xi32, #tpu.memory_space<vmem>>
        %dma_wait3A_81 = arith.constant 0 : i32
        %dma_wait3A_82 = arith.constant 0 : i32
        %dma_wait3A_83 = tpu.memref_slice %arg4[%dma_wait3A_81, %dma_wait3A_82] : memref<10000x128xf32, #tpu.memory_space<hbm>> -> memref<10000x128xf32, #tpu.memory_space<hbm>>
        tpu.wait_indirect_dma semaphore(%arg20 : memref<!tpu.dma_semaphore, #tpu.memory_space<semaphore_mem>>) src(%dma_wait3A_83 : memref<10000x128xf32, #tpu.memory_space<hbm>>) dst(%arg12 : memref<128x128xf32, #tpu.memory_space<vmem>>)
        %dma_start3A_84 = arith.constant 1 : i32
        %dma_start3A_85 = arith.constant 0 : i32
        %dma_start3A_86 = tpu.memref_slice %arg8[%dma_start3A_84, %dma_start3A_85] : memref<2x128xi32, #tpu.memory_space<vmem>> -> memref<1x128xi32, #tpu.memory_space<vmem>>
        %dma_start3A_87 = tpu.memref_squeeze %dma_start3A_86 : memref<1x128xi32, #tpu.memory_space<vmem>> -> memref<128xi32, #tpu.memory_space<vmem>>
        %dma_start3A_88 = arith.constant 0 : i32
        %dma_start3A_89 = arith.constant 0 : i32
        %dma_start3A_90 = tpu.memref_slice %arg5[%dma_start3A_88, %dma_start3A_89] : memref<10000x128xf32, #tpu.memory_space<hbm>> -> memref<10000x128xf32, #tpu.memory_space<hbm>>
        tpu.enqueue_indirect_dma source(%dma_start3A_90 : memref<10000x128xf32, #tpu.memory_space<hbm>>) target(%arg12 : memref<128x128xf32, #tpu.memory_space<vmem>>) offsets(%dma_start3A_87 : memref<128xi32, #tpu.memory_space<vmem>>) semaphore(%arg20 : memref<!tpu.dma_semaphore, #tpu.memory_space<semaphore_mem>>) {add = true}
        %lt3A_91 = arith.constant 1250 : i32
        %lt3A_92 = arith.cmpi slt, %add3A_18, %lt3A_91 : i32
        %convert_element_type3A_93 = arith.extui %lt3A_92 : i1 to i32
        %cond3A_94 = arith.constant 0 : i32
        %cond3A_95 = arith.cmpi ne, %convert_element_type3A_93, %cond3A_94 : i32
        scf.if %cond3A_95 {
          %mul3A_146 = arith.constant 2 : i32
          %mul3A_147 = arith.muli %mul3A_146, %add3A_18 : i32
          %dma_wait3A_148 = arith.constant 0 : i32
          %dma_wait3A_149 = tpu.memref_slice %arg3[%mul3A_147, %dma_wait3A_148] : memref<2500x128xi32, #tpu.memory_space<hbm>> -> memref<2x128xi32, #tpu.memory_space<hbm>>
          %dma_wait3A_150 = arith.constant 0 : i32
          %dma_wait3A_151 = tpu.memref_slice %arg3[%mul3A_147, %dma_wait3A_150] : memref<2500x128xi32, #tpu.memory_space<hbm>> -> memref<2x128xi32, #tpu.memory_space<hbm>>
          tpu.wait_dma2 semaphore(%arg18 : memref<!tpu.dma_semaphore, #tpu.memory_space<semaphore_mem>>) src(%dma_wait3A_151 : memref<2x128xi32, #tpu.memory_space<hbm>>) dst(%arg10 : memref<2x128xi32, #tpu.memory_space<vmem>>)
          %dma_wait3A_152 = arith.constant 0 : i32
          %dma_wait3A_153 = arith.constant 0 : i32
          %dma_wait3A_154 = tpu.memref_slice %arg9[%dma_wait3A_152, %dma_wait3A_153] : memref<2x128xi32, #tpu.memory_space<vmem>> -> memref<1x128xi32, #tpu.memory_space<vmem>>
          %dma_wait3A_155 = tpu.memref_squeeze %dma_wait3A_154 : memref<1x128xi32, #tpu.memory_space<vmem>> -> memref<128xi32, #tpu.memory_space<vmem>>
          %dma_wait3A_156 = arith.constant 0 : i32
          %dma_wait3A_157 = arith.constant 0 : i32
          %dma_wait3A_158 = tpu.memref_slice %arg4[%dma_wait3A_156, %dma_wait3A_157] : memref<10000x128xf32, #tpu.memory_space<hbm>> -> memref<10000x128xf32, #tpu.memory_space<hbm>>
          tpu.wait_indirect_dma semaphore(%arg21 : memref<!tpu.dma_semaphore, #tpu.memory_space<semaphore_mem>>) src(%dma_wait3A_158 : memref<10000x128xf32, #tpu.memory_space<hbm>>) dst(%arg13 : memref<128x128xf32, #tpu.memory_space<vmem>>)
          %dma_start3A_159 = arith.constant 0 : i32
          %dma_start3A_160 = arith.constant 0 : i32
          %dma_start3A_161 = tpu.memref_slice %arg10[%dma_start3A_159, %dma_start3A_160] : memref<2x128xi32, #tpu.memory_space<vmem>> -> memref<1x128xi32, #tpu.memory_space<vmem>>
          %dma_start3A_162 = tpu.memref_squeeze %dma_start3A_161 : memref<1x128xi32, #tpu.memory_space<vmem>> -> memref<128xi32, #tpu.memory_space<vmem>>
          %dma_start3A_163 = arith.constant 0 : i32
          %dma_start3A_164 = arith.constant 0 : i32
          %dma_start3A_165 = tpu.memref_slice %arg5[%dma_start3A_163, %dma_start3A_164] : memref<10000x128xf32, #tpu.memory_space<hbm>> -> memref<10000x128xf32, #tpu.memory_space<hbm>>
          tpu.enqueue_indirect_dma source(%dma_start3A_165 : memref<10000x128xf32, #tpu.memory_space<hbm>>) target(%arg13 : memref<128x128xf32, #tpu.memory_space<vmem>>) offsets(%dma_start3A_162 : memref<128xi32, #tpu.memory_space<vmem>>) semaphore(%arg21 : memref<!tpu.dma_semaphore, #tpu.memory_space<semaphore_mem>>) {add = true}
          %dma_wait3A_166 = arith.constant 1 : i32
          %dma_wait3A_167 = arith.constant 0 : i32
          %dma_wait3A_168 = tpu.memref_slice %arg9[%dma_wait3A_166, %dma_wait3A_167] : memref<2x128xi32, #tpu.memory_space<vmem>> -> memref<1x128xi32, #tpu.memory_space<vmem>>
          %dma_wait3A_169 = tpu.memref_squeeze %dma_wait3A_168 : memref<1x128xi32, #tpu.memory_space<vmem>> -> memref<128xi32, #tpu.memory_space<vmem>>
          %dma_wait3A_170 = arith.constant 0 : i32
          %dma_wait3A_171 = arith.constant 0 : i32
          %dma_wait3A_172 = tpu.memref_slice %arg4[%dma_wait3A_170, %dma_wait3A_171] : memref<10000x128xf32, #tpu.memory_space<hbm>> -> memref<10000x128xf32, #tpu.memory_space<hbm>>
          tpu.wait_indirect_dma semaphore(%arg22 : memref<!tpu.dma_semaphore, #tpu.memory_space<semaphore_mem>>) src(%dma_wait3A_172 : memref<10000x128xf32, #tpu.memory_space<hbm>>) dst(%arg14 : memref<128x128xf32, #tpu.memory_space<vmem>>)
          %dma_start3A_173 = arith.constant 1 : i32
          %dma_start3A_174 = arith.constant 0 : i32
          %dma_start3A_175 = tpu.memref_slice %arg10[%dma_start3A_173, %dma_start3A_174] : memref<2x128xi32, #tpu.memory_space<vmem>> -> memref<1x128xi32, #tpu.memory_space<vmem>>
          %dma_start3A_176 = tpu.memref_squeeze %dma_start3A_175 : memref<1x128xi32, #tpu.memory_space<vmem>> -> memref<128xi32, #tpu.memory_space<vmem>>
          %dma_start3A_177 = arith.constant 0 : i32
          %dma_start3A_178 = arith.constant 0 : i32
          %dma_start3A_179 = tpu.memref_slice %arg5[%dma_start3A_177, %dma_start3A_178] : memref<10000x128xf32, #tpu.memory_space<hbm>> -> memref<10000x128xf32, #tpu.memory_space<hbm>>
          tpu.enqueue_indirect_dma source(%dma_start3A_179 : memref<10000x128xf32, #tpu.memory_space<hbm>>) target(%arg14 : memref<128x128xf32, #tpu.memory_space<vmem>>) offsets(%dma_start3A_176 : memref<128xi32, #tpu.memory_space<vmem>>) semaphore(%arg22 : memref<!tpu.dma_semaphore, #tpu.memory_space<semaphore_mem>>) {add = true}
        } else {
        }
        %dma_wait3A_96 = arith.constant 0 : i32
        %dma_wait3A_97 = arith.constant 0 : i32
        %dma_wait3A_98 = tpu.memref_slice %arg8[%dma_wait3A_96, %dma_wait3A_97] : memref<2x128xi32, #tpu.memory_space<vmem>> -> memref<1x128xi32, #tpu.memory_space<vmem>>
        %dma_wait3A_99 = tpu.memref_squeeze %dma_wait3A_98 : memref<1x128xi32, #tpu.memory_space<vmem>> -> memref<128xi32, #tpu.memory_space<vmem>>
        %dma_wait3A_100 = arith.constant 0 : i32
        %dma_wait3A_101 = arith.constant 0 : i32
        %dma_wait3A_102 = tpu.memref_slice %arg5[%dma_wait3A_100, %dma_wait3A_101] : memref<10000x128xf32, #tpu.memory_space<hbm>> -> memref<10000x128xf32, #tpu.memory_space<hbm>>
        tpu.wait_indirect_dma semaphore(%arg19 : memref<!tpu.dma_semaphore, #tpu.memory_space<semaphore_mem>>) src(%dma_wait3A_102 : memref<10000x128xf32, #tpu.memory_space<hbm>>) dst(%arg11 : memref<128x128xf32, #tpu.memory_space<vmem>>)
        %mul3A_103 = arith.constant 2 : i32
        %mul3A_104 = arith.muli %mul3A_103, %add3A_11 : i32
        %mul3A_105 = arith.constant 128 : i32
        %mul3A_106 = arith.muli %mul3A_104, %mul3A_105 : i32
        %dma_start3A_107 = arith.constant 0 : i32
        %dma_start3A_108 = tpu.memref_slice %arg6[%mul3A_106, %dma_start3A_107] : memref<320000x128xf32, #tpu.memory_space<hbm>> -> memref<128x128xf32, #tpu.memory_space<hbm>>
        %dma_start3A_109 = arith.constant 0 : i32
        %dma_start3A_110 = tpu.memref_slice %arg6[%mul3A_106, %dma_start3A_109] : memref<320000x128xf32, #tpu.memory_space<hbm>> -> memref<128x128xf32, #tpu.memory_space<hbm>>
        tpu.enqueue_dma source(%arg11 : memref<128x128xf32, #tpu.memory_space<vmem>>) target(%dma_start3A_110 : memref<128x128xf32, #tpu.memory_space<hbm>>) target_semaphore(%arg23 : memref<!tpu.dma_semaphore, #tpu.memory_space<semaphore_mem>>)
        %dma_wait3A_111 = arith.constant 1 : i32
        %dma_wait3A_112 = arith.constant 0 : i32
        %dma_wait3A_113 = tpu.memref_slice %arg8[%dma_wait3A_111, %dma_wait3A_112] : memref<2x128xi32, #tpu.memory_space<vmem>> -> memref<1x128xi32, #tpu.memory_space<vmem>>
        %dma_wait3A_114 = tpu.memref_squeeze %dma_wait3A_113 : memref<1x128xi32, #tpu.memory_space<vmem>> -> memref<128xi32, #tpu.memory_space<vmem>>
        %dma_wait3A_115 = arith.constant 0 : i32
        %dma_wait3A_116 = arith.constant 0 : i32
        %dma_wait3A_117 = tpu.memref_slice %arg5[%dma_wait3A_115, %dma_wait3A_116] : memref<10000x128xf32, #tpu.memory_space<hbm>> -> memref<10000x128xf32, #tpu.memory_space<hbm>>
        tpu.wait_indirect_dma semaphore(%arg20 : memref<!tpu.dma_semaphore, #tpu.memory_space<semaphore_mem>>) src(%dma_wait3A_117 : memref<10000x128xf32, #tpu.memory_space<hbm>>) dst(%arg12 : memref<128x128xf32, #tpu.memory_space<vmem>>)
        %mul3A_118 = arith.constant 2 : i32
        %mul3A_119 = arith.muli %mul3A_118, %add3A_11 : i32
        %add3A_120 = arith.constant 1 : i32
        %add3A_121 = arith.addi %mul3A_119, %add3A_120 : i32
        %mul3A_122 = arith.constant 128 : i32
        %mul3A_123 = arith.muli %add3A_121, %mul3A_122 : i32
        %dma_start3A_124 = arith.constant 0 : i32
        %dma_start3A_125 = tpu.memref_slice %arg6[%mul3A_123, %dma_start3A_124] : memref<320000x128xf32, #tpu.memory_space<hbm>> -> memref<128x128xf32, #tpu.memory_space<hbm>>
        %dma_start3A_126 = arith.constant 0 : i32
        %dma_start3A_127 = tpu.memref_slice %arg6[%mul3A_123, %dma_start3A_126] : memref<320000x128xf32, #tpu.memory_space<hbm>> -> memref<128x128xf32, #tpu.memory_space<hbm>>
        tpu.enqueue_dma source(%arg12 : memref<128x128xf32, #tpu.memory_space<vmem>>) target(%dma_start3A_127 : memref<128x128xf32, #tpu.memory_space<hbm>>) target_semaphore(%arg24 : memref<!tpu.dma_semaphore, #tpu.memory_space<semaphore_mem>>)
        %lt3A_128 = arith.constant 1250 : i32
        %lt3A_129 = arith.cmpi slt, %add3A_18, %lt3A_128 : i32
        %convert_element_type3A_130 = arith.extui %lt3A_129 : i1 to i32
        %cond3A_131 = arith.constant 0 : i32
        %cond3A_132 = arith.cmpi ne, %convert_element_type3A_130, %cond3A_131 : i32
        scf.if %cond3A_132 {
          %dma_wait3A_146 = arith.constant 0 : i32
          %dma_wait3A_147 = arith.constant 0 : i32
          %dma_wait3A_148 = tpu.memref_slice %arg10[%dma_wait3A_146, %dma_wait3A_147] : memref<2x128xi32, #tpu.memory_space<vmem>> -> memref<1x128xi32, #tpu.memory_space<vmem>>
          %dma_wait3A_149 = tpu.memref_squeeze %dma_wait3A_148 : memref<1x128xi32, #tpu.memory_space<vmem>> -> memref<128xi32, #tpu.memory_space<vmem>>
          %dma_wait3A_150 = arith.constant 0 : i32
          %dma_wait3A_151 = arith.constant 0 : i32
          %dma_wait3A_152 = tpu.memref_slice %arg5[%dma_wait3A_150, %dma_wait3A_151] : memref<10000x128xf32, #tpu.memory_space<hbm>> -> memref<10000x128xf32, #tpu.memory_space<hbm>>
          tpu.wait_indirect_dma semaphore(%arg21 : memref<!tpu.dma_semaphore, #tpu.memory_space<semaphore_mem>>) src(%dma_wait3A_152 : memref<10000x128xf32, #tpu.memory_space<hbm>>) dst(%arg13 : memref<128x128xf32, #tpu.memory_space<vmem>>)
          %mul3A_153 = arith.constant 2 : i32
          %mul3A_154 = arith.muli %mul3A_153, %add3A_18 : i32
          %mul3A_155 = arith.constant 128 : i32
          %mul3A_156 = arith.muli %mul3A_154, %mul3A_155 : i32
          %dma_start3A_157 = arith.constant 0 : i32
          %dma_start3A_158 = tpu.memref_slice %arg6[%mul3A_156, %dma_start3A_157] : memref<320000x128xf32, #tpu.memory_space<hbm>> -> memref<128x128xf32, #tpu.memory_space<hbm>>
          %dma_start3A_159 = arith.constant 0 : i32
          %dma_start3A_160 = tpu.memref_slice %arg6[%mul3A_156, %dma_start3A_159] : memref<320000x128xf32, #tpu.memory_space<hbm>> -> memref<128x128xf32, #tpu.memory_space<hbm>>
          tpu.enqueue_dma source(%arg13 : memref<128x128xf32, #tpu.memory_space<vmem>>) target(%dma_start3A_160 : memref<128x128xf32, #tpu.memory_space<hbm>>) target_semaphore(%arg25 : memref<!tpu.dma_semaphore, #tpu.memory_space<semaphore_mem>>)
          %dma_wait3A_161 = arith.constant 1 : i32
          %dma_wait3A_162 = arith.constant 0 : i32
          %dma_wait3A_163 = tpu.memref_slice %arg10[%dma_wait3A_161, %dma_wait3A_162] : memref<2x128xi32, #tpu.memory_space<vmem>> -> memref<1x128xi32, #tpu.memory_space<vmem>>
          %dma_wait3A_164 = tpu.memref_squeeze %dma_wait3A_163 : memref<1x128xi32, #tpu.memory_space<vmem>> -> memref<128xi32, #tpu.memory_space<vmem>>
          %dma_wait3A_165 = arith.constant 0 : i32
          %dma_wait3A_166 = arith.constant 0 : i32
          %dma_wait3A_167 = tpu.memref_slice %arg5[%dma_wait3A_165, %dma_wait3A_166] : memref<10000x128xf32, #tpu.memory_space<hbm>> -> memref<10000x128xf32, #tpu.memory_space<hbm>>
          tpu.wait_indirect_dma semaphore(%arg22 : memref<!tpu.dma_semaphore, #tpu.memory_space<semaphore_mem>>) src(%dma_wait3A_167 : memref<10000x128xf32, #tpu.memory_space<hbm>>) dst(%arg14 : memref<128x128xf32, #tpu.memory_space<vmem>>)
          %mul3A_168 = arith.constant 2 : i32
          %mul3A_169 = arith.muli %mul3A_168, %add3A_18 : i32
          %add3A_170 = arith.constant 1 : i32
          %add3A_171 = arith.addi %mul3A_169, %add3A_170 : i32
          %mul3A_172 = arith.constant 128 : i32
          %mul3A_173 = arith.muli %add3A_171, %mul3A_172 : i32
          %dma_start3A_174 = arith.constant 0 : i32
          %dma_start3A_175 = tpu.memref_slice %arg6[%mul3A_173, %dma_start3A_174] : memref<320000x128xf32, #tpu.memory_space<hbm>> -> memref<128x128xf32, #tpu.memory_space<hbm>>
          %dma_start3A_176 = arith.constant 0 : i32
          %dma_start3A_177 = tpu.memref_slice %arg6[%mul3A_173, %dma_start3A_176] : memref<320000x128xf32, #tpu.memory_space<hbm>> -> memref<128x128xf32, #tpu.memory_space<hbm>>
          tpu.enqueue_dma source(%arg14 : memref<128x128xf32, #tpu.memory_space<vmem>>) target(%dma_start3A_177 : memref<128x128xf32, #tpu.memory_space<hbm>>) target_semaphore(%arg26 : memref<!tpu.dma_semaphore, #tpu.memory_space<semaphore_mem>>)
        } else {
        }
        %dma_wait3A_133 = arith.constant 0 : i32
        %dma_wait3A_134 = tpu.memref_slice %arg6[%mul3A_106, %dma_wait3A_133] : memref<320000x128xf32, #tpu.memory_space<hbm>> -> memref<128x128xf32, #tpu.memory_space<hbm>>
        %dma_wait3A_135 = arith.constant 0 : i32
        %dma_wait3A_136 = tpu.memref_slice %arg6[%mul3A_106, %dma_wait3A_135] : memref<320000x128xf32, #tpu.memory_space<hbm>> -> memref<128x128xf32, #tpu.memory_space<hbm>>
        tpu.wait_dma2 semaphore(%arg23 : memref<!tpu.dma_semaphore, #tpu.memory_space<semaphore_mem>>) src(%arg11 : memref<128x128xf32, #tpu.memory_space<vmem>>) dst(%dma_wait3A_136 : memref<128x128xf32, #tpu.memory_space<hbm>>)
        %dma_wait3A_137 = arith.constant 0 : i32
        %dma_wait3A_138 = tpu.memref_slice %arg6[%mul3A_123, %dma_wait3A_137] : memref<320000x128xf32, #tpu.memory_space<hbm>> -> memref<128x128xf32, #tpu.memory_space<hbm>>
        %dma_wait3A_139 = arith.constant 0 : i32
        %dma_wait3A_140 = tpu.memref_slice %arg6[%mul3A_123, %dma_wait3A_139] : memref<320000x128xf32, #tpu.memory_space<hbm>> -> memref<128x128xf32, #tpu.memory_space<hbm>>
        tpu.wait_dma2 semaphore(%arg24 : memref<!tpu.dma_semaphore, #tpu.memory_space<semaphore_mem>>) src(%arg12 : memref<128x128xf32, #tpu.memory_space<vmem>>) dst(%dma_wait3A_140 : memref<128x128xf32, #tpu.memory_space<hbm>>)
        %lt3A_141 = arith.constant 1250 : i32
        %lt3A_142 = arith.cmpi slt, %add3A_18, %lt3A_141 : i32
        %convert_element_type3A_143 = arith.extui %lt3A_142 : i1 to i32
        %cond3A_144 = arith.constant 0 : i32
        %cond3A_145 = arith.cmpi ne, %convert_element_type3A_143, %cond3A_144 : i32
        scf.if %cond3A_145 {
          %mul3A_146 = arith.constant 2 : i32
          %mul3A_147 = arith.muli %mul3A_146, %add3A_18 : i32
          %mul3A_148 = arith.constant 128 : i32
          %mul3A_149 = arith.muli %mul3A_147, %mul3A_148 : i32
          %dma_wait3A_150 = arith.constant 0 : i32
          %dma_wait3A_151 = tpu.memref_slice %arg6[%mul3A_149, %dma_wait3A_150] : memref<320000x128xf32, #tpu.memory_space<hbm>> -> memref<128x128xf32, #tpu.memory_space<hbm>>
          %dma_wait3A_152 = arith.constant 0 : i32
          %dma_wait3A_153 = tpu.memref_slice %arg6[%mul3A_149, %dma_wait3A_152] : memref<320000x128xf32, #tpu.memory_space<hbm>> -> memref<128x128xf32, #tpu.memory_space<hbm>>
          tpu.wait_dma2 semaphore(%arg25 : memref<!tpu.dma_semaphore, #tpu.memory_space<semaphore_mem>>) src(%arg13 : memref<128x128xf32, #tpu.memory_space<vmem>>) dst(%dma_wait3A_153 : memref<128x128xf32, #tpu.memory_space<hbm>>)
          %mul3A_154 = arith.constant 2 : i32
          %mul3A_155 = arith.muli %mul3A_154, %add3A_18 : i32
          %add3A_156 = arith.constant 1 : i32
          %add3A_157 = arith.addi %mul3A_155, %add3A_156 : i32
          %mul3A_158 = arith.constant 128 : i32
          %mul3A_159 = arith.muli %add3A_157, %mul3A_158 : i32
          %dma_wait3A_160 = arith.constant 0 : i32
          %dma_wait3A_161 = tpu.memref_slice %arg6[%mul3A_159, %dma_wait3A_160] : memref<320000x128xf32, #tpu.memory_space<hbm>> -> memref<128x128xf32, #tpu.memory_space<hbm>>
          %dma_wait3A_162 = arith.constant 0 : i32
          %dma_wait3A_163 = tpu.memref_slice %arg6[%mul3A_159, %dma_wait3A_162] : memref<320000x128xf32, #tpu.memory_space<hbm>> -> memref<128x128xf32, #tpu.memory_space<hbm>>
          tpu.wait_dma2 semaphore(%arg26 : memref<!tpu.dma_semaphore, #tpu.memory_space<semaphore_mem>>) src(%arg14 : memref<128x128xf32, #tpu.memory_space<vmem>>) dst(%dma_wait3A_163 : memref<128x128xf32, #tpu.memory_space<hbm>>)
        } else {
        }
      } else {
      }
    }
    %scan3A_5 = arith.constant 20 : i32
    return
  }
}

module attributes {stable_mosaic.version = 14 : i64} {
  func.func @_enc_body(%arg0: i32, %arg1: memref<2000x128xf32, #tpu.memory_space<vmem>>, %arg2: memref<128x384xf32, #tpu.memory_space<vmem>>, %arg3: memref<1x384xf32, #tpu.memory_space<vmem>>, %arg4: memref<2000x128xf32, #tpu.memory_space<vmem>>, %arg5: memref<2000x128xf32, #tpu.memory_space<vmem>>, %arg6: memref<2000x128xf32, #tpu.memory_space<vmem>>) attributes {dimension_semantics = [#tpu.dimension_semantics<arbitrary>], iteration_bounds = array<i64: 5>, scalar_prefetch = 0 : i64, scratch_operands = 0 : i64, tpu.core_type = #tpu.core_type<tc>, window_params = [{transform_indices = @transform_0, window_bounds = array<i64: 2000, 128>}, {pipeline_mode = #tpu.pipeline_mode<synchronous>, transform_indices = @transform_1, window_bounds = array<i64: 128, 384>}, {pipeline_mode = #tpu.pipeline_mode<synchronous>, transform_indices = @transform_2, window_bounds = array<i64: 1, 384>}, {transform_indices = @transform_3, window_bounds = array<i64: 2000, 128>}, {transform_indices = @transform_4, window_bounds = array<i64: 2000, 128>}, {transform_indices = @transform_5, window_bounds = array<i64: 2000, 128>}]} {
    %get3A = arith.constant 0 : index
    %get3A_0 = arith.constant 0 : index
    %get3A_1 = vector.load %arg1[%get3A, %get3A_0] : memref<2000x128xf32, #tpu.memory_space<vmem>>, vector<2000x128xf32>
    %get3A_2 = arith.constant 0 : index
    %get3A_3 = arith.constant 0 : index
    %get3A_4 = vector.load %arg2[%get3A_2, %get3A_3] : memref<128x384xf32, #tpu.memory_space<vmem>>, vector<128x384xf32>
    %dot_general3A = arith.constant dense<0.000000e+00> : vector<2000x384xf32>
    %dot_general3A_5 = tpu.matmul %get3A_1, %get3A_4, %dot_general3A {dimension_numbers = #tpu.dot_dimension_numbers<[1], [0], [0], [1], [0, 0, 1, 1], [], []>, transpose_lhs_hint = false} : vector<2000x128xf32>, vector<128x384xf32>, vector<2000x384xf32> -> vector<2000x384xf32>
    %get3A_6 = arith.constant 0 : index
    %get3A_7 = arith.constant 0 : index
    %get3A_8 = vector.load %arg3[%get3A_6, %get3A_7] : memref<1x384xf32, #tpu.memory_space<vmem>>, vector<1x384xf32>
    %add3A = vector.broadcast %get3A_8 : vector<1x384xf32> to vector<2000x384xf32>
    %add3A_9 = arith.addf %dot_general3A_5, %add3A : vector<2000x384xf32>
    %slice3A = vector.extract_strided_slice %add3A_9 {offsets = [0, 0], sizes = [2000, 128], strides = [1, 1]} : vector<2000x384xf32> to vector<2000x128xf32>
    %swap3A = arith.constant 0 : index
    %swap3A_10 = arith.constant 0 : index
    %swap3A_11 = vector.load %arg4[%swap3A, %swap3A_10] : memref<2000x128xf32, #tpu.memory_space<vmem>>, vector<2000x128xf32>
    tpu.vector_store %arg4[%swap3A, %swap3A_10], %slice3A {strides = array<i32>} : memref<2000x128xf32, #tpu.memory_space<vmem>>, vector<2000x128xf32>,
    %slice3A_12 = vector.extract_strided_slice %add3A_9 {offsets = [0, 128], sizes = [2000, 128], strides = [1, 1]} : vector<2000x384xf32> to vector<2000x128xf32>
    %swap3A_13 = arith.constant 0 : index
    %swap3A_14 = arith.constant 0 : index
    %swap3A_15 = vector.load %arg5[%swap3A_13, %swap3A_14] : memref<2000x128xf32, #tpu.memory_space<vmem>>, vector<2000x128xf32>
    tpu.vector_store %arg5[%swap3A_13, %swap3A_14], %slice3A_12 {strides = array<i32>} : memref<2000x128xf32, #tpu.memory_space<vmem>>, vector<2000x128xf32>,
    %slice3A_16 = vector.extract_strided_slice %add3A_9 {offsets = [0, 256], sizes = [2000, 128], strides = [1, 1]} : vector<2000x384xf32> to vector<2000x128xf32>
    %swap3A_17 = arith.constant 0 : index
    %swap3A_18 = arith.constant 0 : index
    %swap3A_19 = vector.load %arg6[%swap3A_17, %swap3A_18] : memref<2000x128xf32, #tpu.memory_space<vmem>>, vector<2000x128xf32>
    tpu.vector_store %arg6[%swap3A_17, %swap3A_18], %slice3A_16 {strides = array<i32>} : memref<2000x128xf32, #tpu.memory_space<vmem>>, vector<2000x128xf32>,
    return
  }
  func.func @transform_0(%arg0: i32) -> (i32, i32) {
    %c0_i32 = arith.constant 0 : i32
    %c0_i32_0 = arith.constant 0 : i32
    return %arg0, %c0_i32 : i32, i32
  }
  func.func @transform_1(%arg0: i32) -> (i32, i32) {
    %c0_i32 = arith.constant 0 : i32
    %c0_i32_0 = arith.constant 0 : i32
    %c0_i32_1 = arith.constant 0 : i32
    return %c0_i32, %c0_i32_0 : i32, i32
  }
  func.func @transform_2(%arg0: i32) -> (i32, i32) {
    %c0_i32 = arith.constant 0 : i32
    %c0_i32_0 = arith.constant 0 : i32
    %c0_i32_1 = arith.constant 0 : i32
    return %c0_i32, %c0_i32_0 : i32, i32
  }
  func.func @transform_3(%arg0: i32) -> (i32, i32) {
    %c0_i32 = arith.constant 0 : i32
    %c0_i32_0 = arith.constant 0 : i32
    return %arg0, %c0_i32 : i32, i32
  }
  func.func @transform_4(%arg0: i32) -> (i32, i32) {
    %c0_i32 = arith.constant 0 : i32
    %c0_i32_0 = arith.constant 0 : i32
    return %arg0, %c0_i32 : i32, i32
  }
  func.func @transform_5(%arg0: i32) -> (i32, i32) {
    %c0_i32 = arith.constant 0 : i32
    %c0_i32_0 = arith.constant 0 : i32
    return %arg0, %c0_i32 : i32, i32
  }
}

module attributes {stable_mosaic.version = 14 : i64} {
  func.func @_umlp_body(%arg0: i32, %arg1: memref<3200x128xf32, #tpu.memory_space<vmem>>, %arg2: memref<128x128xf32, #tpu.memory_space<vmem>>, %arg3: memref<1x128xf32, #tpu.memory_space<vmem>>, %arg4: memref<128x128xf32, #tpu.memory_space<vmem>>, %arg5: memref<1x128xf32, #tpu.memory_space<vmem>>, %arg6: memref<128x128xf32, #tpu.memory_space<vmem>>, %arg7: memref<1x128xf32, #tpu.memory_space<vmem>>, %arg8: memref<3200x128xf32, #tpu.memory_space<vmem>>) attributes {dimension_semantics = [#tpu.dimension_semantics<arbitrary>], iteration_bounds = array<i64: 100>, scalar_prefetch = 0 : i64, scratch_operands = 0 : i64, tpu.core_type = #tpu.core_type<tc>, window_params = [{transform_indices = @transform_0, window_bounds = array<i64: 3200, 128>}, {pipeline_mode = #tpu.pipeline_mode<synchronous>, transform_indices = @transform_1, window_bounds = array<i64: 128, 128>}, {pipeline_mode = #tpu.pipeline_mode<synchronous>, transform_indices = @transform_2, window_bounds = array<i64: 1, 128>}, {pipeline_mode = #tpu.pipeline_mode<synchronous>, transform_indices = @transform_3, window_bounds = array<i64: 128, 128>}, {pipeline_mode = #tpu.pipeline_mode<synchronous>, transform_indices = @transform_4, window_bounds = array<i64: 1, 128>}, {pipeline_mode = #tpu.pipeline_mode<synchronous>, transform_indices = @transform_5, window_bounds = array<i64: 128, 128>}, {pipeline_mode = #tpu.pipeline_mode<synchronous>, transform_indices = @transform_6, window_bounds = array<i64: 1, 128>}, {transform_indices = @transform_7, window_bounds = array<i64: 3200, 128>}]} {
    %get3A = arith.constant 0 : index
    %get3A_0 = arith.constant 0 : index
    %get3A_1 = vector.load %arg1[%get3A, %get3A_0] : memref<3200x128xf32, #tpu.memory_space<vmem>>, vector<3200x128xf32>
    %get3A_2 = arith.constant 0 : index
    %get3A_3 = arith.constant 0 : index
    %get3A_4 = vector.load %arg2[%get3A_2, %get3A_3] : memref<128x128xf32, #tpu.memory_space<vmem>>, vector<128x128xf32>
    %dot_general3A = arith.constant dense<0.000000e+00> : vector<3200x128xf32>
    %dot_general3A_5 = tpu.matmul %get3A_1, %get3A_4, %dot_general3A {dimension_numbers = #tpu.dot_dimension_numbers<[1], [0], [0], [1], [0, 0, 1, 1], [], []>, transpose_lhs_hint = false} : vector<3200x128xf32>, vector<128x128xf32>, vector<3200x128xf32> -> vector<3200x128xf32>
    %get3A_6 = arith.constant 0 : index
    %get3A_7 = arith.constant 0 : index
    %get3A_8 = vector.load %arg3[%get3A_6, %get3A_7] : memref<1x128xf32, #tpu.memory_space<vmem>>, vector<1x128xf32>
    %add3A = vector.broadcast %get3A_8 : vector<1x128xf32> to vector<3200x128xf32>
    %add3A_9 = arith.addf %dot_general3A_5, %add3A : vector<3200x128xf32>
    %tanh3A = math.tanh %add3A_9 : vector<3200x128xf32>
    %get3A_10 = arith.constant 0 : index
    %get3A_11 = arith.constant 0 : index
    %get3A_12 = vector.load %arg4[%get3A_10, %get3A_11] : memref<128x128xf32, #tpu.memory_space<vmem>>, vector<128x128xf32>
    %dot_general3A_13 = arith.constant dense<0.000000e+00> : vector<3200x128xf32>
    %dot_general3A_14 = tpu.matmul %tanh3A, %get3A_12, %dot_general3A_13 {dimension_numbers = #tpu.dot_dimension_numbers<[1], [0], [0], [1], [0, 0, 1, 1], [], []>, transpose_lhs_hint = false} : vector<3200x128xf32>, vector<128x128xf32>, vector<3200x128xf32> -> vector<3200x128xf32>
    %get3A_15 = arith.constant 0 : index
    %get3A_16 = arith.constant 0 : index
    %get3A_17 = vector.load %arg5[%get3A_15, %get3A_16] : memref<1x128xf32, #tpu.memory_space<vmem>>, vector<1x128xf32>
    %add3A_18 = vector.broadcast %get3A_17 : vector<1x128xf32> to vector<3200x128xf32>
    %add3A_19 = arith.addf %dot_general3A_14, %add3A_18 : vector<3200x128xf32>
    %max3A = arith.constant 0.000000e+00 : f32
    %max3A_20 = vector.broadcast %max3A : f32 to vector<3200x128xf32>
    %max3A_21 = arith.maximumf %add3A_19, %max3A_20 : vector<3200x128xf32>
    %get3A_22 = arith.constant 0 : index
    %get3A_23 = arith.constant 0 : index
    %get3A_24 = vector.load %arg6[%get3A_22, %get3A_23] : memref<128x128xf32, #tpu.memory_space<vmem>>, vector<128x128xf32>
    %dot_general3A_25 = arith.constant dense<0.000000e+00> : vector<3200x128xf32>
    %dot_general3A_26 = tpu.matmul %max3A_21, %get3A_24, %dot_general3A_25 {dimension_numbers = #tpu.dot_dimension_numbers<[1], [0], [0], [1], [0, 0, 1, 1], [], []>, transpose_lhs_hint = false} : vector<3200x128xf32>, vector<128x128xf32>, vector<3200x128xf32> -> vector<3200x128xf32>
    %get3A_27 = arith.constant 0 : index
    %get3A_28 = arith.constant 0 : index
    %get3A_29 = vector.load %arg7[%get3A_27, %get3A_28] : memref<1x128xf32, #tpu.memory_space<vmem>>, vector<1x128xf32>
    %add3A_30 = vector.broadcast %get3A_29 : vector<1x128xf32> to vector<3200x128xf32>
    %add3A_31 = arith.addf %dot_general3A_26, %add3A_30 : vector<3200x128xf32>
    %swap3A = arith.constant 0 : index
    %swap3A_32 = arith.constant 0 : index
    %swap3A_33 = vector.load %arg8[%swap3A, %swap3A_32] : memref<3200x128xf32, #tpu.memory_space<vmem>>, vector<3200x128xf32>
    tpu.vector_store %arg8[%swap3A, %swap3A_32], %add3A_31 {strides = array<i32>} : memref<3200x128xf32, #tpu.memory_space<vmem>>, vector<3200x128xf32>,
    return
  }
  func.func @transform_0(%arg0: i32) -> (i32, i32) {
    %c0_i32 = arith.constant 0 : i32
    %c0_i32_0 = arith.constant 0 : i32
    return %arg0, %c0_i32 : i32, i32
  }
  func.func @transform_1(%arg0: i32) -> (i32, i32) {
    %c0_i32 = arith.constant 0 : i32
    %c0_i32_0 = arith.constant 0 : i32
    %c0_i32_1 = arith.constant 0 : i32
    return %c0_i32, %c0_i32_0 : i32, i32
  }
  func.func @transform_2(%arg0: i32) -> (i32, i32) {
    %c0_i32 = arith.constant 0 : i32
    %c0_i32_0 = arith.constant 0 : i32
    %c0_i32_1 = arith.constant 0 : i32
    return %c0_i32, %c0_i32_0 : i32, i32
  }
  func.func @transform_3(%arg0: i32) -> (i32, i32) {
    %c0_i32 = arith.constant 0 : i32
    %c0_i32_0 = arith.constant 0 : i32
    %c0_i32_1 = arith.constant 0 : i32
    return %c0_i32, %c0_i32_0 : i32, i32
  }
  func.func @transform_4(%arg0: i32) -> (i32, i32) {
    %c0_i32 = arith.constant 0 : i32
    %c0_i32_0 = arith.constant 0 : i32
    %c0_i32_1 = arith.constant 0 : i32
    return %c0_i32, %c0_i32_0 : i32, i32
  }
  func.func @transform_5(%arg0: i32) -> (i32, i32) {
    %c0_i32 = arith.constant 0 : i32
    %c0_i32_0 = arith.constant 0 : i32
    %c0_i32_1 = arith.constant 0 : i32
    return %c0_i32, %c0_i32_0 : i32, i32
  }
  func.func @transform_6(%arg0: i32) -> (i32, i32) {
    %c0_i32 = arith.constant 0 : i32
    %c0_i32_0 = arith.constant 0 : i32
    %c0_i32_1 = arith.constant 0 : i32
    return %c0_i32, %c0_i32_0 : i32, i32
  }
  func.func @transform_7(%arg0: i32) -> (i32, i32) {
    %c0_i32 = arith.constant 0 : i32
    %c0_i32_0 = arith.constant 0 : i32
    return %arg0, %c0_i32 : i32, i32
  }
}

module attributes {stable_mosaic.version = 14 : i64} {
  func.func @_kdot_body(%arg0: i32, %arg1: memref<2x2048x128xf32, #tpu.memory_space<vmem>>, %arg2: memref<2x2048x128xf32, #tpu.memory_space<vmem>>, %arg3: memref<128x128xf32, #tpu.memory_space<vmem>>, %arg4: memref<1x128xf32, #tpu.memory_space<vmem>>, %arg5: memref<128x128xf32, #tpu.memory_space<vmem>>, %arg6: memref<1x128xf32, #tpu.memory_space<vmem>>, %arg7: memref<128x128xf32, #tpu.memory_space<vmem>>, %arg8: memref<1x128xf32, #tpu.memory_space<vmem>>, %arg9: memref<1x1xf32, #tpu.memory_space<vmem>>) attributes {dimension_semantics = [#tpu.dimension_semantics<arbitrary>], iteration_bounds = array<i64: 5>, scalar_prefetch = 0 : i64, scratch_operands = 0 : i64, tpu.core_type = #tpu.core_type<tc>, window_params = [{transform_indices = @transform_0, window_bounds = array<i64: 2, 2048, 128>}, {transform_indices = @transform_1, window_bounds = array<i64: 2, 2048, 128>}, {pipeline_mode = #tpu.pipeline_mode<synchronous>, transform_indices = @transform_2, window_bounds = array<i64: 128, 128>}, {pipeline_mode = #tpu.pipeline_mode<synchronous>, transform_indices = @transform_3, window_bounds = array<i64: 1, 128>}, {pipeline_mode = #tpu.pipeline_mode<synchronous>, transform_indices = @transform_4, window_bounds = array<i64: 128, 128>}, {pipeline_mode = #tpu.pipeline_mode<synchronous>, transform_indices = @transform_5, window_bounds = array<i64: 1, 128>}, {pipeline_mode = #tpu.pipeline_mode<synchronous>, transform_indices = @transform_6, window_bounds = array<i64: 128, 128>}, {pipeline_mode = #tpu.pipeline_mode<synchronous>, transform_indices = @transform_7, window_bounds = array<i64: 1, 128>}, {pipeline_mode = #tpu.pipeline_mode<synchronous>, transform_indices = @transform_8, window_bounds = array<i64: 1, 1>}]} {
    %get3A = arith.constant 0 : index
    %get3A_0 = arith.constant 0 : index
    %get3A_1 = arith.constant 0 : index
    %get3A_2 = vector.load %arg1[%get3A, %get3A_0, %get3A_1] : memref<2x2048x128xf32, #tpu.memory_space<vmem>>, vector<1x2048x128xf32>
    %get3A_3 = vector.shape_cast %get3A_2 : vector<1x2048x128xf32> to vector<2048x128xf32>
    %get3A_4 = arith.constant 1 : index
    %get3A_5 = arith.constant 0 : index
    %get3A_6 = arith.constant 0 : index
    %get3A_7 = vector.load %arg1[%get3A_4, %get3A_5, %get3A_6] : memref<2x2048x128xf32, #tpu.memory_space<vmem>>, vector<1x2048x128xf32>
    %get3A_8 = vector.shape_cast %get3A_7 : vector<1x2048x128xf32> to vector<2048x128xf32>
    %add3A = arith.addf %get3A_3, %get3A_8 : vector<2048x128xf32>
    %get3A_9 = arith.constant 0 : index
    %get3A_10 = arith.constant 0 : index
    %get3A_11 = arith.constant 0 : index
    %get3A_12 = vector.load %arg2[%get3A_9, %get3A_10, %get3A_11] : memref<2x2048x128xf32, #tpu.memory_space<vmem>>, vector<1x2048x128xf32>
    %get3A_13 = vector.shape_cast %get3A_12 : vector<1x2048x128xf32> to vector<2048x128xf32>
    %get3A_14 = arith.constant 1 : index
    %get3A_15 = arith.constant 0 : index
    %get3A_16 = arith.constant 0 : index
    %get3A_17 = vector.load %arg2[%get3A_14, %get3A_15, %get3A_16] : memref<2x2048x128xf32, #tpu.memory_space<vmem>>, vector<1x2048x128xf32>
    %get3A_18 = vector.shape_cast %get3A_17 : vector<1x2048x128xf32> to vector<2048x128xf32>
    %add3A_19 = arith.addf %get3A_13, %get3A_18 : vector<2048x128xf32>
    %get3A_20 = arith.constant 0 : index
    %get3A_21 = arith.constant 0 : index
    %get3A_22 = vector.load %arg3[%get3A_20, %get3A_21] : memref<128x128xf32, #tpu.memory_space<vmem>>, vector<128x128xf32>
    %dot_general3A = arith.constant dense<0.000000e+00> : vector<2048x128xf32>
    %dot_general3A_23 = tpu.matmul %add3A, %get3A_22, %dot_general3A {dimension_numbers = #tpu.dot_dimension_numbers<[1], [0], [0], [1], [0, 0, 1, 1], [], []>, transpose_lhs_hint = false} : vector<2048x128xf32>, vector<128x128xf32>, vector<2048x128xf32> -> vector<2048x128xf32>
    %get3A_24 = arith.constant 0 : index
    %get3A_25 = arith.constant 0 : index
    %get3A_26 = vector.load %arg4[%get3A_24, %get3A_25] : memref<1x128xf32, #tpu.memory_space<vmem>>, vector<1x128xf32>
    %add3A_27 = vector.broadcast %get3A_26 : vector<1x128xf32> to vector<2048x128xf32>
    %add3A_28 = arith.addf %dot_general3A_23, %add3A_27 : vector<2048x128xf32>
    %tanh3A = math.tanh %add3A_28 : vector<2048x128xf32>
    %get3A_29 = arith.constant 0 : index
    %get3A_30 = arith.constant 0 : index
    %get3A_31 = vector.load %arg5[%get3A_29, %get3A_30] : memref<128x128xf32, #tpu.memory_space<vmem>>, vector<128x128xf32>
    %dot_general3A_32 = arith.constant dense<0.000000e+00> : vector<2048x128xf32>
    %dot_general3A_33 = tpu.matmul %tanh3A, %get3A_31, %dot_general3A_32 {dimension_numbers = #tpu.dot_dimension_numbers<[1], [0], [0], [1], [0, 0, 1, 1], [], []>, transpose_lhs_hint = false} : vector<2048x128xf32>, vector<128x128xf32>, vector<2048x128xf32> -> vector<2048x128xf32>
    %get3A_34 = arith.constant 0 : index
    %get3A_35 = arith.constant 0 : index
    %get3A_36 = vector.load %arg6[%get3A_34, %get3A_35] : memref<1x128xf32, #tpu.memory_space<vmem>>, vector<1x128xf32>
    %add3A_37 = vector.broadcast %get3A_36 : vector<1x128xf32> to vector<2048x128xf32>
    %add3A_38 = arith.addf %dot_general3A_33, %add3A_37 : vector<2048x128xf32>
    %max3A = arith.constant 0.000000e+00 : f32
    %max3A_39 = vector.broadcast %max3A : f32 to vector<2048x128xf32>
    %max3A_40 = arith.maximumf %add3A_38, %max3A_39 : vector<2048x128xf32>
    %get3A_41 = arith.constant 0 : index
    %get3A_42 = arith.constant 0 : index
    %get3A_43 = vector.load %arg7[%get3A_41, %get3A_42] : memref<128x128xf32, #tpu.memory_space<vmem>>, vector<128x128xf32>
    %dot_general3A_44 = arith.constant dense<0.000000e+00> : vector<2048x128xf32>
    %dot_general3A_45 = tpu.matmul %max3A_40, %get3A_43, %dot_general3A_44 {dimension_numbers = #tpu.dot_dimension_numbers<[1], [0], [0], [1], [0, 0, 1, 1], [], []>, transpose_lhs_hint = false} : vector<2048x128xf32>, vector<128x128xf32>, vector<2048x128xf32> -> vector<2048x128xf32>
    %get3A_46 = arith.constant 0 : index
    %get3A_47 = arith.constant 0 : index
    %get3A_48 = vector.load %arg8[%get3A_46, %get3A_47] : memref<1x128xf32, #tpu.memory_space<vmem>>, vector<1x128xf32>
    %add3A_49 = vector.broadcast %get3A_48 : vector<1x128xf32> to vector<2048x128xf32>
    %add3A_50 = arith.addf %dot_general3A_45, %add3A_49 : vector<2048x128xf32>
    %mul3A = arith.mulf %add3A_50, %add3A_19 : vector<2048x128xf32>
    %reduce_sum3A = vector.shape_cast %mul3A : vector<2048x128xf32> to vector<1x2048x128xf32>
    %reduce_sum3A_51 = arith.constant dense<0.000000e+00> : vector<1xf32>
    %reduce_sum3A_52 = vector.multi_reduction <add>, %reduce_sum3A, %reduce_sum3A_51 [1, 2] : vector<1x2048x128xf32> to vector<1xf32>
    %reduce_sum3A_53 = vector.shape_cast %reduce_sum3A_52 : vector<1xf32> to vector<1x1x1xf32>
    %reduce_sum3A_54 = vector.extract %reduce_sum3A_53[0, 0, 0] : f32 from vector<1x1x1xf32>
    %reshape3A = vector.broadcast %reduce_sum3A_54 : f32 to vector<1x1xf32>
    %eq3A = arith.constant 0 : i32
    %eq3A_55 = arith.cmpi eq, %arg0, %eq3A : i32
    %convert_element_type3A = arith.extui %eq3A_55 : i1 to i32
    %cond3A = arith.constant 0 : i32
    %cond3A_56 = arith.cmpi ne, %convert_element_type3A, %cond3A : i32
    scf.if %cond3A_56 {
      %broadcast_in_dim3A = arith.constant 0.000000e+00 : f32
      %broadcast_in_dim3A_63 = vector.broadcast %broadcast_in_dim3A : f32 to vector<1x1xf32>
      %swap3A_64 = arith.constant 0 : index
      %swap3A_65 = arith.constant 0 : index
      %swap3A_66 = vector.load %arg9[%swap3A_64, %swap3A_65] : memref<1x1xf32, #tpu.memory_space<vmem>>, vector<1x1xf32>
      tpu.vector_store %arg9[%swap3A_64, %swap3A_65], %broadcast_in_dim3A_63 {strides = array<i32>} : memref<1x1xf32, #tpu.memory_space<vmem>>, vector<1x1xf32>,
    } else {
    }
    %get3A_57 = arith.constant 0 : index
    %get3A_58 = arith.constant 0 : index
    %get3A_59 = vector.load %arg9[%get3A_57, %get3A_58] : memref<1x1xf32, #tpu.memory_space<vmem>>, vector<1x1xf32>
    %add3A_60 = arith.addf %get3A_59, %reshape3A : vector<1x1xf32>
    %swap3A = arith.constant 0 : index
    %swap3A_61 = arith.constant 0 : index
    %swap3A_62 = vector.load %arg9[%swap3A, %swap3A_61] : memref<1x1xf32, #tpu.memory_space<vmem>>, vector<1x1xf32>
    tpu.vector_store %arg9[%swap3A, %swap3A_61], %add3A_60 {strides = array<i32>} : memref<1x1xf32, #tpu.memory_space<vmem>>, vector<1x1xf32>,
    return
  }
  func.func @transform_0(%arg0: i32) -> (i32, i32, i32) {
    %c0_i32 = arith.constant 0 : i32
    %c0_i32_0 = arith.constant 0 : i32
    %c0_i32_1 = arith.constant 0 : i32
    return %c0_i32, %arg0, %c0_i32_0 : i32, i32, i32
  }
  func.func @transform_1(%arg0: i32) -> (i32, i32, i32) {
    %c0_i32 = arith.constant 0 : i32
    %c0_i32_0 = arith.constant 0 : i32
    %c0_i32_1 = arith.constant 0 : i32
    return %c0_i32, %arg0, %c0_i32_0 : i32, i32, i32
  }
  func.func @transform_2(%arg0: i32) -> (i32, i32) {
    %c0_i32 = arith.constant 0 : i32
    %c0_i32_0 = arith.constant 0 : i32
    %c0_i32_1 = arith.constant 0 : i32
    return %c0_i32, %c0_i32_0 : i32, i32
  }
  func.func @transform_3(%arg0: i32) -> (i32, i32) {
    %c0_i32 = arith.constant 0 : i32
    %c0_i32_0 = arith.constant 0 : i32
    %c0_i32_1 = arith.constant 0 : i32
    return %c0_i32, %c0_i32_0 : i32, i32
  }
  func.func @transform_4(%arg0: i32) -> (i32, i32) {
    %c0_i32 = arith.constant 0 : i32
    %c0_i32_0 = arith.constant 0 : i32
    %c0_i32_1 = arith.constant 0 : i32
    return %c0_i32, %c0_i32_0 : i32, i32
  }
  func.func @transform_5(%arg0: i32) -> (i32, i32) {
    %c0_i32 = arith.constant 0 : i32
    %c0_i32_0 = arith.constant 0 : i32
    %c0_i32_1 = arith.constant 0 : i32
    return %c0_i32, %c0_i32_0 : i32, i32
  }
  func.func @transform_6(%arg0: i32) -> (i32, i32) {
    %c0_i32 = arith.constant 0 : i32
    %c0_i32_0 = arith.constant 0 : i32
    %c0_i32_1 = arith.constant 0 : i32
    return %c0_i32, %c0_i32_0 : i32, i32
  }
  func.func @transform_7(%arg0: i32) -> (i32, i32) {
    %c0_i32 = arith.constant 0 : i32
    %c0_i32_0 = arith.constant 0 : i32
    %c0_i32_1 = arith.constant 0 : i32
    return %c0_i32, %c0_i32_0 : i32, i32
  }
  func.func @transform_8(%arg0: i32) -> (i32, i32) {
    %c0_i32 = arith.constant 0 : i32
    %c0_i32_0 = arith.constant 0 : i32
    %c0_i32_1 = arith.constant 0 : i32
    return %c0_i32, %c0_i32_0 : i32, i32
  }
}

</mosaic_0001>

<sc_bundles>
// kernel: kernel.11.cloned.1.call-start
scs
__scs_entry_jumppad:
0x0: {  	(pc) =	sbr.rel $0x88, $3  }
0x1: {  	(tag) =	ssettag $0x0;
	lr =	simm.s32 $0x1  }
0x2: {  	[smem:$0x3F8D] =	sst lr;
	_ =	strace $0xD0000000  }
0x3: {  	_ = 	snop  }
0x4: {  	_ = 	snop  }
0x5: {  	_ = 	snop  }
0x6: {  	_ = 	snop  }
0x7: {  	_ = 	snop  }
__scs_overlays_trampoline_lowered:
0x8: {  	[smem:$0x3F9C] =	sst s0  }
0x9: {  	[smem:$0x3F9D] =	sst s1  }
0xa: {  	[smem:$0x3F9E] =	sst s2  }
0xb: {  	[smem:$0x3F9F] =	sst s3  }
0xc: {  	[smem:$0x3FA0] =	sst s4  }
0xd: {  	[smem:$0x3FA1] =	sst s5  }
0xe: {  	[smem:$0x3FA2] =	sst s6  }
0xf: {  	[smem:$0x3FA3] =	sst s7  }
0x10: {  	[smem:$0x3FA4] =	sst s8  }
0x11: {  	[smem:$0x3FA5] =	sst s9;
	s0 =	simm.s32 @!p0 $0x0  }
0x12: {  	s1 =	sld [smem:$0x3F8B];
	s0 =	simm.s32 @p0 $0x1  }
0x13: {  	[smem:$0x3FA6] =	sst s0;
	s0 =	simm.s32 @!p1 $0x0  }
0x14: {  	s2 =	sld [smem:$0x3F8A];
	s0 =	simm.s32 @p1 $0x1  }
0x15: {  	[smem:$0x3FA7] =	sst s0;
	s0 =	simm.s32 @!p2 $0x0  }
0x16: {  	s3 =	sld [smem:$0x3FDB];
	s0 =	simm.s32 @p2 $0x1  }
0x17: {  	s4 =	simm.s32 $0x1BF5;
	[smem:$0x3FA9] =	sst s0  }
0x18: {  	s0 =	sld [smem:$0x3F8C];
	_ =	swait.ge [sflag:s4], $0x0  }
0x19: {  	s7 =	sld [smem:$0x3F8D]  }
0x1a: {  	s8 =	sadd.s32 $0xFFFFE003, lr  }
0x1b: {  	s9 =	sadd.s32 $0xFFFFFEF7, lr;
	s5 =	simm.s32 $0xFFFFFFFF;
	p2 =	slt.u32 s8, $0xFFFFF086  }
0x1c: {  	p1 =	slt.u32 s9, $0xF7A;
	s5 =	simm.s32 @!p2 $0x0  }
0x1d: {  	s5 =	simm.s32 @p1 $0x1;
	p0 =	seq.s32 s7, s2  }
0x1e: {  	s7 =	smul.u32 @!p0 $0xF7A, s2;
	p2 =	seq.s32 @!p0 s5, $0x0  }
0x1f: {  	s9 =	smul.u32 $0xF7A, s1;
	s8 =	simm.s32 @!p0 $0x1BF5;
	p2 =	por !p2, p0  }
0x20: {  	[sflag:s8] =	ssyncset.s32 @!p0 $0xFFFFF086;
	s6 =	sadd.s32 @!p0 s3, s7;
	s7 =	simm.s32 @!p0 $0x108  }
0x21: {  	s3 =	sadd.s32 s3, s9;
	s6 =	sadd.s32 @!p0 $0x88, s6;
	s7 =	simm.s32 @p2 $0x1082  }
0x22: {  	[simem:s7], [sflag:s8] =	dma.local @!p0 [hbm:s6], $0xF7A  }
0x23: {  	s9 =	sor.u32 $0xD0000000, s2;
	s6 =	simm.s32 $0x108;
	_ =	swait.ge @!p0 [sflag:s8], $0x0  }
0x24: {  	s3 =	sadd.s32 $0x88, s3;
	s6 =	simm.s32 @!p1 $0x1082;
	[sflag:s4] =	ssyncset.s32 $0xFFFFF086  }
0x25: {  	[simem:s6], [sflag:s4] =	dma.local [hbm:s3], $0xF7A  }
0x26: {  	[smem:$0x3F8D] =	sst s1;
	(tag) =	ssettag s2;
	_ =	strace s9  }
0x27: {  	s1 =	sld [smem:$0x3F9D]  }
0x28: {  	s2 =	sld [smem:$0x3F9E]  }
0x29: {  	s4 =	sld [smem:$0x3FA0]  }
0x2a: {  	p0 =	seq.s32 s5, $0x0;
	s5 =	sld [smem:$0x3FA1]  }
0x2b: {  	s6 =	sld [smem:$0x3FA2]  }
0x2c: {  	s7 =	sld [smem:$0x3FA3]  }
0x2d: {  	s3 =	simm.s32 $0x108;
	s8 =	sld [smem:$0x3FA4]  }
0x2e: {  	s3 =	simm.s32 @!p0 $0x1082;
	s9 =	sld [smem:$0x3FA5]  }
0x2f: {  	lr =	sadd.s32 s0, s3;
	s0 =	sld [smem:$0x3F9C]  }
0x30: {  	s3 =	sld [smem:$0x3F9F]  }
0x31: {  	[smem:$0x3FA8] =	sst s10  }
0x32: {  	s10 =	sld [smem:$0x3FA6];
	_ =	sdelay $0x3  }
0x33: {  	p0 =	seq.s32 s10, $0x1;
	s10 =	sld [smem:$0x3FA8];
	_ =	sdelay $0x3  }
0x34: {  	[smem:$0x3FA8] =	sst s10  }
0x35: {  	s10 =	sld [smem:$0x3FA7];
	_ =	sdelay $0x3  }
0x36: {  	p1 =	seq.s32 s10, $0x1;
	s10 =	sld [smem:$0x3FA8];
	_ =	sdelay $0x3  }
0x37: {  	[smem:$0x3FA8] =	sst s10  }
0x38: {  	s10 =	sld [smem:$0x3FA9]  }
0x39: {  	_ = 	snop;
	(pc) =	sbr.ind lr, $3  }
0x3a: {  	_ = 	snop  }
0x3b: {  	_ = 	snop  }
0x3c: {  	p2 =	seq.s32 s10, $0x1;
	s10 =	sld [smem:$0x3FA8]  }
0x3d: {  	_ =	shalt  }
0x3e: {  	_ =	shalt  }
0x3f: {  	_ =	shalt  }
0x40: {  	_ =	shalt  }
0x41: {  	_ =	shalt  }
0x42: {  	_ =	shalt  }
0x43: {  	_ =	shalt  }
0x44: {  	_ =	shalt  }
0x45: {  	_ =	shalt  }
0x46: {  	_ =	shalt  }
0x47: {  	_ =	shalt  }
0x48: {  	_ =	shalt  }
0x49: {  	_ =	shalt  }
0x4a: {  	_ =	shalt  }
0x4b: {  	_ =	shalt  }
0x4c: {  	_ =	shalt  }
0x4d: {  	_ =	shalt  }
0x4e: {  	_ =	shalt  }
0x4f: {  	_ =	shalt  }
0x50: {  	_ =	shalt  }
0x51: {  	_ =	shalt  }
0x52: {  	_ =	shalt  }
0x53: {  	_ =	shalt  }
0x54: {  	_ =	shalt  }
0x55: {  	_ =	shalt  }
0x56: {  	_ =	shalt  }
0x57: {  	_ =	shalt  }
0x58: {  	_ =	shalt  }
0x59: {  	_ =	shalt  }
0x5a: {  	_ =	shalt  }
0x5b: {  	_ =	shalt  }
0x5c: {  	_ =	shalt  }
0x5d: {  	_ =	shalt  }
0x5e: {  	_ =	shalt  }
0x5f: {  	_ =	shalt  }
0x60: {  	_ =	shalt  }
0x61: {  	_ =	shalt  }
0x62: {  	_ =	shalt  }
0x63: {  	_ =	shalt  }
0x64: {  	_ =	shalt  }
0x65: {  	_ =	shalt  }
0x66: {  	_ =	shalt  }
0x67: {  	_ =	shalt  }
0x68: {  	_ =	shalt  }
0x69: {  	_ =	shalt  }
0x6a: {  	_ =	shalt  }
0x6b: {  	_ =	shalt  }
0x6c: {  	_ =	shalt  }
0x6d: {  	_ =	shalt  }
0x6e: {  	_ =	shalt  }
0x6f: {  	_ =	shalt  }
0x70: {  	_ =	shalt  }
0x71: {  	_ =	shalt  }
0x72: {  	_ =	shalt  }
0x73: {  	_ =	shalt  }
0x74: {  	_ =	shalt  }
0x75: {  	_ =	shalt  }
0x76: {  	_ =	shalt  }
0x77: {  	_ =	shalt  }
0x78: {  	_ =	shalt  }
0x79: {  	_ =	shalt  }
0x7a: {  	_ =	shalt  }
0x7b: {  	_ =	shalt  }
0x7c: {  	_ =	shalt  }
0x7d: {  	_ =	shalt  }
0x7e: {  	_ =	shalt  }
0x7f: {  	_ =	shalt  }
0x80: {  	_ =	shalt  }
0x81: {  	_ =	shalt  }
0x82: {  	_ =	shalt  }
0x83: {  	_ =	shalt  }
0x84: {  	_ =	shalt  }
0x85: {  	_ =	shalt  }
0x86: {  	_ =	shalt  }
0x87: {  	_ =	shalt  }
.Lfunc_end0:
.L_simem_size_0:
called_computation.1_lowered:
.L_overlay_start_0:
0x88: {  	s2 =	sld [smem:$0x3FD9]  }
0x89: {  	s3 =	sld [smem:$0x3FFE];
	_ =	sdelay $0x1  }
0x8a: {  	s1 =	srdreg.scid  }
0x8b: {  	s0 =	sand.u32 $0x1, s1  }
0x8c: {  	s17 =	sshll.u32 s0, $0xA;
	s2 =	sadd.s32 s3, s2  }
0x8d: {  	s2 =	sadd.s32 s2, s17  }
0x8e: {  	[smem:$0x3FB4] =	sst s2  }
0x8f: {  	_ = 	snop  }
0x90: {  	(tm) =	ssettm $0x1  }
0x91: {  	s18 =	sld [smem:$0x3FFB];
	_ =	sdelay $0x3  }
0x92: {  	_ =	strace s18  }
0x93: {  	s2 =	sld [smem:$0x3FFC];
	_ =	sdelay $0x3  }
0x94: {  	_ =	strace s2  }
0x95: {  	s2 =	sld [smem:$0x3FFD];
	_ =	sdelay $0x3  }
0x96: {  	_ =	strace s2  }
0x97: {  	_ =	strace $0x8FFFFFFF  }
0x98: {  	s19 =	sld [smem:$0x3FDB];
	_ =	sdelay $0x1  }
0x99: {  	s20 =	simm.s32 $_scs_section_size  }
0x9a: {  	s4 =	simm.s32 $_size__tile_overlayer_lowered;
	s5 =	simm.s32 $_tile_overlayer_lowered  }
0x9b: {  	s6 =	simm.s32 $0x1BFF;
	s21 =	sshll.u32 s5, $0x1;
	s3 =	sadd.s32 s20, s19  }
0x9c: {  	s22 =	simm.s32 $0x0;
	s4 =	sshll.u32 s4, $0x1;
	s5 =	sadd.s32 s21, s3  }
0x9d: {  	[timem:s22], [sflag:s6] =	dma.local [hbm:s5], s4  }
0x9e: {  	_ =	swait.ge [sflag:s6], s4  }
0x9f: {  	s4 =	ssub.s32 $0x0, s4;
	[sflag:s6] =	ssyncset.done $0x0  }
0xa0: {  	[sflag:s6] =	ssyncadd.s32 s4;
	_ =	sdelay $0x1  }
0xa1: {  	s23 =	simm.s32 $0x1B8B  }
0xa2: {  	_ =	swait.ge [sflag:s23], $0x1  }
0xa3: {  	[sflag:s23] =	ssyncset.done $0x0  }
0xa4: {  	[sflag:s23] =	ssyncadd.s32 $0xFFFFFFFF  }
0xa5: {  	s4 =	sld [smem:$0x0]  }
0xa6: {  	s5 =	sand.u32 $0xFFFFFFFE, s1  }
0xa7: {  	p0 =	sne.s32 s1, s5  }
0xa8: {  	s5 =	sshll.u32 @p0 s5, $0xE  }
0xa9: {  	s5 =	sadd.s32 @p0 $0x11B8D, s5;
	s6 =	sshll.u32 @p0 s4, $0x11  }
0xaa: {  	s5 =	sor.u32 @p0 s6, s5  }
0xab: {  	[sflag:s5] =	ssyncadd.remote.s32 @p0 $0x1;
	_ =	sdelay $0x1  }
0xac: {  	s5 =	simm.s32 @p0 $0x1B8D  }
0xad: {  	_ =	swait.eq @p0 [sflag:s5], $0x1  }
0xae: {  	[sflag:s5] =	ssyncadd.s32 @p0 $0xFFFFFFFF  }
0xaf: {  	s6 =	sshll.u32 @!p0 s1, $0xE  }
0xb0: {  	s6 =	sor.u32 @!p0 $0x4000, s6;
	s5 =	simm.s32 @!p0 $0x1B8D  }
0xb1: {  	s4 =	sshll.u32 @!p0 s4, $0x11;
	s6 =	sadd.s32 @!p0 $0x11B8D, s6;
	_ =	swait.eq @!p0 [sflag:s5], $0x1  }
0xb2: {  	s4 =	sor.u32 @!p0 s4, s6;
	[sflag:s5] =	ssyncadd.s32 @!p0 $0xFFFFFFFF  }
0xb3: {  	s25 =	simm.s32 $0x1B8E;
	s24 =	sld [smem:$0x3FFE];
	[sflag:s4] =	ssyncadd.remote.s32 @!p0 $0x1  }
0xb4: {  	s26 =	simm.s32 $execute0_lowered;
	[smem:$0x3FD2] =	sst s25  }
0xb5: {  	s5 =	sshll.u32 s26, $0x1;
	_ =	strace $0x80000049;
	[dreg:$0x1] =	wrdreg $0xFFFFFFFF  }
0xb6: {  	s28 =	simm.s32 $_size_execute0_lowered;
	s3 =	sadd.s32 s3, s5;
	[dreg:$0x0] =	wrdreg $0x0  }
0xb7: {  	s5 =	sshll.u32 s28, $0x1;
	[dreg:$0x2] =	wrdreg s3  }
0xb8: {  	[dreg:$0x3] =	wrdreg s5  }
0xb9: {  	[dreg:$0x4] =	wrdreg $0xC0  }
0xba: {  	_ =	task [dreg:s22], $0x5FFFF  }
0xbb: {  	[dreg:$0x1] =	wrdreg $0xFFFFFFFF  }
0xbc: {  	[dreg:$0x0] =	wrdreg $0x60  }
0xbd: {  	[dreg:$0x2] =	wrdreg s24  }
0xbe: {  	[dreg:$0x3] =	wrdreg $0x82000  }
0xbf: {  	[dreg:$0x4] =	wrdreg $0x9  }
0xc0: {  	_ =	task.clear_ibuf [dreg:s22], $0x5FFFF;
	_ =	strace $0x90000049  }
0xc1: {  	s29 =	simm.s32 $0x9;
	_ =	strace $0x8000004B  }
0xc2: {  	_ =	swait.ge [sflag:s29], $0x1  }
0xc3: {  	[sflag:s29] =	ssyncadd.s32 $0xFFFFFFFF  }
0xc4: {  	_ =	strace $0x9000004B  }
0xc5: {  	_ =	sfence  }
0xc6: {  	s30 =	sld [smem:$0x0];
	_ =	sdelay $0x2  }
0xc7: {  	s31 =	sshll.u32 s1, $0xD;
	s1 =	sshrl.u32 s1, $0x2  }
0xc8: {  	s4 =	sand.u32 $0x4000, s31;
	s1 =	sadd.s32 s1, s30  }
0xc9: {  	s0 =	sor.u32 s4, s0;
	s1 =	sshll.u32 s1, $0x11  }
0xca: {  	s0 =	sor.u32 s1, s0  }
0xcb: {  	s0 =	sadd.s32 $0x8F2B, s0  }
0xcc: {  	[sflag:s0] =	ssyncadd.remote.s32 $0x1  }
0xcd: {  	_ =	sfence.sel $0xFFFF  }
0xce: {  	[dreg:$0x0] =	wrdreg $0xFFFFFFFF;
	(pc) =	sbr.abs _section_cstart, $3  }
0xcf: {  	[dreg:$0x1] =	wrdreg $0xFFFFFFFF  }
0xd0: {  	_ =	task.clear_ibuf [dreg:s22], $0x2FFFF;
	_ =	strace $0x9FFFFFFF  }
0xd1: {  	(tm) =	ssettm $0x7FFFFFFF  }
tec
execute0_lowered:
.L_overlay_start_1:
0x0: {  	(tag) =	ssettag $0x1  }
0x1: {  	s5 =	rddreg [dreg:$0x0];
	s0 =	srdreg.scid  }
0x2: {  	s2 =	rddreg [dreg:$0x1];
	s1 =	stileid.u32  }
0x3: {  	s3 =	simm.s32 $0x0;
	s11 =	sand.u32 $0x1, s0;
	s0 =	rddreg [dreg:$0x2]  }
0x4: {  	s6 =	sshll.u32 s1, $0x6;
	s30 =	smul.u32 $0x2800, s1;
	[smem:$0x7FF] =	sst s3  }
0x5: {  	s12 =	smul.u32 $0x50000, s1;
	s31 =	sshll.u32 s1, $0x1;
	s4 =	sshll.u32 s11, $0x5  }
0x6: {  	s9 =	smul.u32 $0x28000, s11;
	_ =	strace $0x8000004A;
	s10 =	ssub.s32 $0x2, s11  }
0x7: {  	s11 =	sor.u32 s11, s31;
	s7 =	sor.u32 s4, s6;
	s4 =	sadd.s32 $0x65600, s5  }
0x8: {  	s13 =	sshrl.u32 s10, $0x1;
	s12 =	sshrl.u32 s12, $0x2;
	s6 =	sor.u32 $0x1C07, s6  }
0x9: {  	s8 =	sand.u32 $0x380, s7;
	s9 =	sadd.s32 s30, s9;
	s10 =	ssub.s32 s10, s13  }
0xa: {  	s12 =	sadd.s32 s12, s2;
	s14 =	sand.u32 $0x60, s7;
	s13 =	simm.s32 $0x7  }
0xb: {  	s8 =	sadd.s32 s8, s5;
	s9 =	sadd.s32 s9, s5;
	s5 =	sadd.s32 $0x56E800, s5  }
0xc: {  	s12 =	sshrl.u32 s12, $0x3;
	s7 =	sadd.s32 $0x571000, s9;
	s14 =	sadd.s32 s14, s8  }
0xd: {  	s8 =	smax.u32 s10, $0x1;
	s9 =	sadd.s32 $0xD400, s14;
	s10 =	sadd.s32 $0x3600, s14  }
.LBB2_1:
0xe: {  	[spmem:s12], [sflag:s6] =	dma.local [hbm:s5], $0x2800  }
0xf: {  	_ =	swait.ge [sflag:s13], $0x2800  }
0x10: {  	[sflag:s13] =	ssyncset.done $0x0  }
0x11: {  	p0 =	sgt.u32 s11, $0x4E1;
	[sflag:s13] =	ssyncadd.s32 $0xFFFFD800  }
0x12: {  	s14 =	sadd.s32 @!p0 $0x0, s9;
	s15 =	simm.s32 @!p0 $0x0;
	[bflag:$0x0] =	sbarrier.arrive $0xFFFF  }
0x13: {  	[tilespmem:s15], [sflag:$0x1] =	stream.linear.gather @!p0 [hbm4b:s14+s15], $0x100, $0x38;
	[tilespmem:$0x1C200] =	vst v63  }
0x14: {  	s16 =	simm.s32 @!p0 $0x100;
	s17 =	simm.s32 @!p0 $0x1;
	s14 =	sadd.s32 @!p0 $0x0, s10  }
0x15: {  	[tilespmem:s16], [sflag:$0x2] =	stream.linear.gather @!p0 [hbm4b:s14+s15], $0x100, $0x38;
	[tilespmem:$0x1C200] =	vst v63  }
0x16: {  	_ =	swait.ge @!p0 [sflag:s17], $0x100  }
0x17: {  	[sflag:s17] =	ssyncset.done @!p0 $0x0;
	p0 =	por p0, p0  }
0x18: {  	[sflag:s17] =	ssyncadd.s32 @!p0 $0xFFFFFF00;
	s14 =	simm.s32 @!p0 $0x80;
	s17 =	simm.s32 @!p0 $0x200  }
0x19: {  	[tilespmem:s17], [sflag:$0x3] =	stream.indirect.gather @!p0 [hbm4b:s4+s14], $0x80, s15, s14, $0xb8;
	[tilespmem:$0x1C200] =	vst v63  }
0x1a: {  	s18 =	simm.s32 @!p0 $0x2;
	s15 =	simm.s32 @!p0 $0x4200  }
0x1b: {  	[tilespmem:s15], [sflag:$0x4] =	stream.indirect.gather @!p0 [hbm4b:s4+s14], $0x80, s14, s14, $0xb8;
	[tilespmem:$0x1C200] =	vst v63  }
0x1c: {  	_ =	swait.ge @!p0 [sflag:s18], $0x100  }
0x1d: {  	[sflag:s18] =	ssyncset.done @!p0 $0x0  }
0x1e: {  	[sflag:s18] =	ssyncadd.s32 @!p0 $0xFFFFFF00;
	s18 =	simm.s32 @!p0 $0x3  }
0x1f: {  	_ =	swait.ge @!p0 [sflag:s18], $0x4000  }
0x20: {  	[sflag:s18] =	ssyncset.done @!p0 $0x0  }
0x21: {  	[sflag:s18] =	ssyncadd.s32 @!p0 $0xFFFFC000;
	s18 =	simm.s32 @!p0 $0x4  }
0x22: {  	[spmem:s2] =	stream.indirect.scatter.add.f32 @!p0 [tilespmem:s17], [sflag:$0x5], $0x80, s16, s14, $0xb8;
	[tilespmem:$0x1C200] =	vst v63  }
0x23: {  	_ =	swait.ge @!p0 [sflag:s18], $0x4000  }
0x24: {  	[sflag:s18] =	ssyncset.done @!p0 $0x0  }
0x25: {  	s16 =	simm.s32 @!p0 $0x180;
	s17 =	simm.s32 @!p0 $0x5;
	[sflag:s18] =	ssyncadd.s32 @!p0 $0xFFFFC000  }
0x26: {  	[spmem:s2] =	stream.indirect.scatter.add.f32 @!p0 [tilespmem:s15], [sflag:$0x6], $0x80, s16, s14, $0xb8;
	[tilespmem:$0x1C200] =	vst v63  }
0x27: {  	_ =	swait.ge @!p0 [sflag:s17], $0x4000  }
0x28: {  	[sflag:s17] =	ssyncset.done @!p0 $0x0  }
0x29: {  	[sflag:s17] =	ssyncadd.s32 @!p0 $0xFFFFC000;
	s17 =	simm.s32 @!p0 $0x6  }
0x2a: {  	s14 =	simm.s32 $0x400;
	s15 =	sadd.s32 $0x20, s11;
	_ =	swait.ge @!p0 [sflag:s17], $0x4000  }
0x2b: {  	s16 =	simm.s32 $0x800;
	p2 =	sgt.u32 s15, $0x4E1;
	[sflag:s17] =	ssyncset.done @!p0 $0x0  }
.LBB2_2:
0x2c: {  	s18 =	sadd.s32 @!p2 s14, s9;
	s19 =	simm.s32 @!p2 $0x0;
	[sflag:s17] =	ssyncadd.s32 @!p0 $0xFFFFC000  }
0x2d: {  	[tilespmem:s19], [sflag:$0x1] =	stream.linear.gather @!p2 [hbm4b:s18+s19], $0x100, $0x38;
	[tilespmem:$0x1C200] =	vst v63  }
0x2e: {  	s14 =	sadd.s32 @!p2 s14, s10;
	s17 =	simm.s32 @!p2 $0x100;
	s18 =	simm.s32 @!p2 $0x1  }
0x2f: {  	[tilespmem:s17], [sflag:$0x2] =	stream.linear.gather @!p2 [hbm4b:s14+s19], $0x100, $0x38;
	[tilespmem:$0x1C200] =	vst v63  }
0x30: {  	s14 =	smov.u32 s16;
	s16 =	sadd.s32 $0x400, s16;
	_ =	swait.ge @!p2 [sflag:s18], $0x100  }
0x31: {  	p0 =	por p2, p2;
	p1 =	sne.s32 s16, $0xA000;
	[sflag:s18] =	ssyncset.done @!p2 $0x0  }
0x32: {  	s20 =	simm.s32 @!p0 $0x200;
	[sflag:s18] =	ssyncadd.s32 @!p0 $0xFFFFFF00;
	s18 =	simm.s32 @!p0 $0x80  }
0x33: {  	[tilespmem:s20], [sflag:$0x3] =	stream.indirect.gather @!p0 [hbm4b:s4+s18], $0x80, s19, s18, $0xb8;
	[tilespmem:$0x1C200] =	vst v63  }
0x34: {  	s21 =	simm.s32 @!p0 $0x2;
	s19 =	simm.s32 @!p0 $0x4200  }
0x35: {  	[tilespmem:s19], [sflag:$0x4] =	stream.indirect.gather @!p0 [hbm4b:s4+s18], $0x80, s18, s18, $0xb8;
	[tilespmem:$0x1C200] =	vst v63  }
0x36: {  	_ =	swait.ge @!p0 [sflag:s21], $0x100  }
0x37: {  	[sflag:s21] =	ssyncset.done @!p0 $0x0  }
0x38: {  	[sflag:s21] =	ssyncadd.s32 @!p0 $0xFFFFFF00;
	s21 =	simm.s32 @!p0 $0x3  }
0x39: {  	_ =	swait.ge @!p0 [sflag:s21], $0x4000  }
0x3a: {  	[sflag:s21] =	ssyncset.done @!p0 $0x0  }
0x3b: {  	[sflag:s21] =	ssyncadd.s32 @!p0 $0xFFFFC000;
	s21 =	simm.s32 @!p0 $0x4  }
0x3c: {  	[spmem:s2] =	stream.indirect.scatter.add.f32 @!p0 [tilespmem:s20], [sflag:$0x5], $0x80, s17, s18, $0xb8;
	[tilespmem:$0x1C200] =	vst v63  }
0x3d: {  	_ =	swait.ge @!p0 [sflag:s21], $0x4000  }
0x3e: {  	[sflag:s21] =	ssyncset.done @!p0 $0x0  }
0x3f: {  	s17 =	simm.s32 @!p0 $0x180;
	s20 =	simm.s32 @!p0 $0x5;
	[sflag:s21] =	ssyncadd.s32 @!p0 $0xFFFFC000  }
0x40: {  	[spmem:s2] =	stream.indirect.scatter.add.f32 @!p0 [tilespmem:s19], [sflag:$0x6], $0x80, s17, s18, $0xb8;
	[tilespmem:$0x1C200] =	vst v63  }
.Ltmp0:
0x41: {  	_ =	swait.ge @!p0 [sflag:s20], $0x4000;
	(pc) =	sbr.rel @p1 .LBB2_2-.Ltmp0, $4  }
0x42: {  	[sflag:s20] =	ssyncset.done @!p0 $0x0  }
0x43: {  	s17 =	simm.s32 @!p0 $0x6;
	[sflag:s20] =	ssyncadd.s32 @!p0 $0xFFFFC000  }
0x44: {  	s15 =	sadd.s32 $0x20, s15;
	_ =	swait.ge @!p0 [sflag:s17], $0x4000  }
0x45: {  	p2 =	sgt.u32 s15, $0x4E1;
	[sflag:s17] =	ssyncset.done @!p0 $0x0  }
0x46: {  	s15 =	sadd.s32 @!p2 s14, s9;
	s16 =	simm.s32 @!p2 $0x0;
	[sflag:s17] =	ssyncadd.s32 @!p0 $0xFFFFC000  }
0x47: {  	[tilespmem:s16], [sflag:$0x1] =	stream.linear.gather @!p2 [hbm4b:s15+s16], $0x100, $0x38;
	[tilespmem:$0x1C200] =	vst v63  }
0x48: {  	s14 =	sadd.s32 @!p2 s14, s10;
	s17 =	simm.s32 @!p2 $0x1;
	s15 =	simm.s32 @!p2 $0x100  }
0x49: {  	[tilespmem:s15], [sflag:$0x2] =	stream.linear.gather @!p2 [hbm4b:s14+s16], $0x100, $0x38;
	[tilespmem:$0x1C200] =	vst v63  }
0x4a: {  	_ =	swait.ge @!p2 [sflag:s17], $0x100  }
0x4b: {  	p0 =	por p2, p2;
	[sflag:s17] =	ssyncset.done @!p2 $0x0  }
0x4c: {  	s14 =	simm.s32 @!p0 $0x80;
	[sflag:s17] =	ssyncadd.s32 @!p0 $0xFFFFFF00;
	s17 =	simm.s32 @!p0 $0x200  }
0x4d: {  	[tilespmem:s17], [sflag:$0x3] =	stream.indirect.gather @!p0 [hbm4b:s4+s14], $0x80, s16, s14, $0xb8;
	[tilespmem:$0x1C200] =	vst v63  }
0x4e: {  	s18 =	simm.s32 @!p0 $0x2;
	s16 =	simm.s32 @!p0 $0x4200  }
0x4f: {  	[tilespmem:s16], [sflag:$0x4] =	stream.indirect.gather @!p0 [hbm4b:s4+s14], $0x80, s14, s14, $0xb8;
	[tilespmem:$0x1C200] =	vst v63  }
0x50: {  	_ =	swait.ge @!p0 [sflag:s18], $0x100  }
0x51: {  	[sflag:s18] =	ssyncset.done @!p0 $0x0  }
0x52: {  	[sflag:s18] =	ssyncadd.s32 @!p0 $0xFFFFFF00;
	s18 =	simm.s32 @!p0 $0x3  }
0x53: {  	_ =	swait.ge @!p0 [sflag:s18], $0x4000  }
0x54: {  	[sflag:s18] =	ssyncset.done @!p0 $0x0  }
0x55: {  	[sflag:s18] =	ssyncadd.s32 @!p0 $0xFFFFC000;
	s18 =	simm.s32 @!p0 $0x4  }
0x56: {  	[spmem:s2] =	stream.indirect.scatter.add.f32 @!p0 [tilespmem:s17], [sflag:$0x5], $0x80, s15, s14, $0xb8;
	[tilespmem:$0x1C200] =	vst v63  }
0x57: {  	_ =	swait.ge @!p0 [sflag:s18], $0x4000  }
0x58: {  	[sflag:s18] =	ssyncset.done @!p0 $0x0  }
0x59: {  	s15 =	simm.s32 @!p0 $0x180;
	s17 =	simm.s32 @!p0 $0x5;
	[sflag:s18] =	ssyncadd.s32 @!p0 $0xFFFFC000  }
0x5a: {  	[spmem:s2] =	stream.indirect.scatter.add.f32 @!p0 [tilespmem:s16], [sflag:$0x6], $0x80, s15, s14, $0xb8;
	[tilespmem:$0x1C200] =	vst v63  }
0x5b: {  	_ =	swait.ge @!p0 [sflag:s17], $0x4000  }
0x5c: {  	[sflag:s17] =	ssyncset.done @!p0 $0x0  }
0x5d: {  	s14 =	simm.s32 @!p0 $0x6;
	[sflag:s17] =	ssyncadd.s32 @!p0 $0xFFFFC000  }
0x5e: {  	_ =	swait.ge @!p0 [sflag:s14], $0x4000  }
0x5f: {  	s3 =	sadd.s32 $0x1, s3;
	[sflag:s14] =	ssyncset.done @!p0 $0x0  }
0x60: {  	[sflag:s14] =	ssyncadd.s32 @!p0 $0xFFFFC000;
	p0 =	sne.s32 s3, s8  }
.Ltmp1:
0x61: {  	[bflag:$0x0] =	sbarrier.arrive $0xFFFF;
	(pc) =	sbr.rel @p0 .LBB2_1-.Ltmp1, $4  }
0x62: {  	[hbm:s7], [sflag:s6] =	dma.local [spmem:s12], $0x2800  }
0x63: {  	_ =	swait.ge [sflag:s13], $0x2800  }
0x64: {  	[sflag:s13] =	ssyncset.done $0x0  }
0x65: {  	[sflag:s13] =	ssyncadd.s32 $0xFFFFD800  }
0x66: {  	_ =	sfence.sel $0x180000  }
0x67: {  	[bflag:$0x0] =	sbarrier.arrive $0xFFFF  }
0x68: {  	p0 =	sne.s32 s1, $0x0;
	_ =	strace $0x9000004A  }
0x69: {  	s0 =	sadd.s32 @!p0 $0x100000, s0;
	[bflag:$0x2] =	sbarrier.arrive $0xFFFF  }
0x6a: {  	[sflag:s0] =	ssyncadd.tile.s32 @!p0 $0x1;
	_ =	shalt  }
.Lfunc_end2:
_tile_overlayer_lowered:
.L_overlay_start_2:
0x6b: {  	(tag) =	ssettag $0x2  }
0x6c: {  	s0 =	rddreg [dreg:$0x0];
	s2 =	stileid.u32  }
0x6d: {  	s1 =	rddreg [dreg:$0x1];
	p0 =	sne.s32 s2, $0x0  }
0x6e: {  	s3 =	rddreg [dreg:$0x2];
	[bflag:$0x3] =	sbarrier.arrive $0xFFFF;
	s2 =	simm.s32 @!p0 $0x1C07  }
0x6f: {  	[timem:s3], [sflag:s2] =	dma.local @!p0 [hbm:s0], s1  }
0x70: {  	s0 =	simm.s32 @!p0 $0x7  }
0x71: {  	_ =	swait.ge @!p0 [sflag:s0], s1  }
0x72: {  	s1 =	ssub.s32 @!p0 $0x0, s1;
	[sflag:s0] =	ssyncset.done @!p0 $0x0  }
0x73: {  	[sflag:s0] =	ssyncadd.s32 @!p0 s1  }
0x74: {  	[bflag:$0x3] =	sbarrier.arrive $0xFFFF  }
0x75: {  	_ =	shalt  }

// kernel: kernel.14.cloned.1.call-start
scs
__scs_entry_jumppad:
0x0: {  	(pc) =	sbr.rel $0x88, $3  }
0x1: {  	(tag) =	ssettag $0x0;
	lr =	simm.s32 $0x1  }
0x2: {  	[smem:$0x3F8D] =	sst lr;
	_ =	strace $0xD0000000  }
0x3: {  	_ = 	snop  }
0x4: {  	_ = 	snop  }
0x5: {  	_ = 	snop  }
0x6: {  	_ = 	snop  }
0x7: {  	_ = 	snop  }
__scs_overlays_trampoline_lowered:
0x8: {  	[smem:$0x3F9C] =	sst s0  }
0x9: {  	[smem:$0x3F9D] =	sst s1  }
0xa: {  	[smem:$0x3F9E] =	sst s2  }
0xb: {  	[smem:$0x3F9F] =	sst s3  }
0xc: {  	[smem:$0x3FA0] =	sst s4  }
0xd: {  	[smem:$0x3FA1] =	sst s5  }
0xe: {  	[smem:$0x3FA2] =	sst s6  }
0xf: {  	[smem:$0x3FA3] =	sst s7  }
0x10: {  	[smem:$0x3FA4] =	sst s8  }
0x11: {  	[smem:$0x3FA5] =	sst s9;
	s0 =	simm.s32 @!p0 $0x0  }
0x12: {  	s1 =	sld [smem:$0x3F8B];
	s0 =	simm.s32 @p0 $0x1  }
0x13: {  	[smem:$0x3FA6] =	sst s0;
	s0 =	simm.s32 @!p1 $0x0  }
0x14: {  	s2 =	sld [smem:$0x3F8A];
	s0 =	simm.s32 @p1 $0x1  }
0x15: {  	[smem:$0x3FA7] =	sst s0;
	s0 =	simm.s32 @!p2 $0x0  }
0x16: {  	s3 =	sld [smem:$0x3FDB];
	s0 =	simm.s32 @p2 $0x1  }
0x17: {  	s4 =	simm.s32 $0x1BF5;
	[smem:$0x3FA9] =	sst s0  }
0x18: {  	s0 =	sld [smem:$0x3F8C];
	_ =	swait.ge [sflag:s4], $0x0  }
0x19: {  	s7 =	sld [smem:$0x3F8D]  }
0x1a: {  	s8 =	sadd.s32 $0xFFFFE003, lr  }
0x1b: {  	s9 =	sadd.s32 $0xFFFFFEF7, lr;
	s5 =	simm.s32 $0xFFFFFFFF;
	p2 =	slt.u32 s8, $0xFFFFF086  }
0x1c: {  	p1 =	slt.u32 s9, $0xF7A;
	s5 =	simm.s32 @!p2 $0x0  }
0x1d: {  	s5 =	simm.s32 @p1 $0x1;
	p0 =	seq.s32 s7, s2  }
0x1e: {  	s7 =	smul.u32 @!p0 $0xF7A, s2;
	p2 =	seq.s32 @!p0 s5, $0x0  }
0x1f: {  	s9 =	smul.u32 $0xF7A, s1;
	s8 =	simm.s32 @!p0 $0x1BF5;
	p2 =	por !p2, p0  }
0x20: {  	[sflag:s8] =	ssyncset.s32 @!p0 $0xFFFFF086;
	s6 =	sadd.s32 @!p0 s3, s7;
	s7 =	simm.s32 @!p0 $0x108  }
0x21: {  	s3 =	sadd.s32 s3, s9;
	s6 =	sadd.s32 @!p0 $0x88, s6;
	s7 =	simm.s32 @p2 $0x1082  }
0x22: {  	[simem:s7], [sflag:s8] =	dma.local @!p0 [hbm:s6], $0xF7A  }
0x23: {  	s9 =	sor.u32 $0xD0000000, s2;
	s6 =	simm.s32 $0x108;
	_ =	swait.ge @!p0 [sflag:s8], $0x0  }
0x24: {  	s3 =	sadd.s32 $0x88, s3;
	s6 =	simm.s32 @!p1 $0x1082;
	[sflag:s4] =	ssyncset.s32 $0xFFFFF086  }
0x25: {  	[simem:s6], [sflag:s4] =	dma.local [hbm:s3], $0xF7A  }
0x26: {  	[smem:$0x3F8D] =	sst s1;
	(tag) =	ssettag s2;
	_ =	strace s9  }
0x27: {  	s1 =	sld [smem:$0x3F9D]  }
0x28: {  	s2 =	sld [smem:$0x3F9E]  }
0x29: {  	s4 =	sld [smem:$0x3FA0]  }
0x2a: {  	p0 =	seq.s32 s5, $0x0;
	s5 =	sld [smem:$0x3FA1]  }
0x2b: {  	s6 =	sld [smem:$0x3FA2]  }
0x2c: {  	s7 =	sld [smem:$0x3FA3]  }
0x2d: {  	s3 =	simm.s32 $0x108;
	s8 =	sld [smem:$0x3FA4]  }
0x2e: {  	s3 =	simm.s32 @!p0 $0x1082;
	s9 =	sld [smem:$0x3FA5]  }
0x2f: {  	lr =	sadd.s32 s0, s3;
	s0 =	sld [smem:$0x3F9C]  }
0x30: {  	s3 =	sld [smem:$0x3F9F]  }
0x31: {  	[smem:$0x3FA8] =	sst s10  }
0x32: {  	s10 =	sld [smem:$0x3FA6];
	_ =	sdelay $0x3  }
0x33: {  	p0 =	seq.s32 s10, $0x1;
	s10 =	sld [smem:$0x3FA8];
	_ =	sdelay $0x3  }
0x34: {  	[smem:$0x3FA8] =	sst s10  }
0x35: {  	s10 =	sld [smem:$0x3FA7];
	_ =	sdelay $0x3  }
0x36: {  	p1 =	seq.s32 s10, $0x1;
	s10 =	sld [smem:$0x3FA8];
	_ =	sdelay $0x3  }
0x37: {  	[smem:$0x3FA8] =	sst s10  }
0x38: {  	s10 =	sld [smem:$0x3FA9]  }
0x39: {  	_ = 	snop;
	(pc) =	sbr.ind lr, $3  }
0x3a: {  	_ = 	snop  }
0x3b: {  	_ = 	snop  }
0x3c: {  	p2 =	seq.s32 s10, $0x1;
	s10 =	sld [smem:$0x3FA8]  }
0x3d: {  	_ =	shalt  }
0x3e: {  	_ =	shalt  }
0x3f: {  	_ =	shalt  }
0x40: {  	_ =	shalt  }
0x41: {  	_ =	shalt  }
0x42: {  	_ =	shalt  }
0x43: {  	_ =	shalt  }
0x44: {  	_ =	shalt  }
0x45: {  	_ =	shalt  }
0x46: {  	_ =	shalt  }
0x47: {  	_ =	shalt  }
0x48: {  	_ =	shalt  }
0x49: {  	_ =	shalt  }
0x4a: {  	_ =	shalt  }
0x4b: {  	_ =	shalt  }
0x4c: {  	_ =	shalt  }
0x4d: {  	_ =	shalt  }
0x4e: {  	_ =	shalt  }
0x4f: {  	_ =	shalt  }
0x50: {  	_ =	shalt  }
0x51: {  	_ =	shalt  }
0x52: {  	_ =	shalt  }
0x53: {  	_ =	shalt  }
0x54: {  	_ =	shalt  }
0x55: {  	_ =	shalt  }
0x56: {  	_ =	shalt  }
0x57: {  	_ =	shalt  }
0x58: {  	_ =	shalt  }
0x59: {  	_ =	shalt  }
0x5a: {  	_ =	shalt  }
0x5b: {  	_ =	shalt  }
0x5c: {  	_ =	shalt  }
0x5d: {  	_ =	shalt  }
0x5e: {  	_ =	shalt  }
0x5f: {  	_ =	shalt  }
0x60: {  	_ =	shalt  }
0x61: {  	_ =	shalt  }
0x62: {  	_ =	shalt  }
0x63: {  	_ =	shalt  }
0x64: {  	_ =	shalt  }
0x65: {  	_ =	shalt  }
0x66: {  	_ =	shalt  }
0x67: {  	_ =	shalt  }
0x68: {  	_ =	shalt  }
0x69: {  	_ =	shalt  }
0x6a: {  	_ =	shalt  }
0x6b: {  	_ =	shalt  }
0x6c: {  	_ =	shalt  }
0x6d: {  	_ =	shalt  }
0x6e: {  	_ =	shalt  }
0x6f: {  	_ =	shalt  }
0x70: {  	_ =	shalt  }
0x71: {  	_ =	shalt  }
0x72: {  	_ =	shalt  }
0x73: {  	_ =	shalt  }
0x74: {  	_ =	shalt  }
0x75: {  	_ =	shalt  }
0x76: {  	_ =	shalt  }
0x77: {  	_ =	shalt  }
0x78: {  	_ =	shalt  }
0x79: {  	_ =	shalt  }
0x7a: {  	_ =	shalt  }
0x7b: {  	_ =	shalt  }
0x7c: {  	_ =	shalt  }
0x7d: {  	_ =	shalt  }
0x7e: {  	_ =	shalt  }
0x7f: {  	_ =	shalt  }
0x80: {  	_ =	shalt  }
0x81: {  	_ =	shalt  }
0x82: {  	_ =	shalt  }
0x83: {  	_ =	shalt  }
0x84: {  	_ =	shalt  }
0x85: {  	_ =	shalt  }
0x86: {  	_ =	shalt  }
0x87: {  	_ =	shalt  }
.Lfunc_end0:
.L_simem_size_0:
called_computation.2_lowered:
.L_overlay_start_0:
0x88: {  	s2 =	sld [smem:$0x3FD9]  }
0x89: {  	s3 =	sld [smem:$0x3FFE];
	_ =	sdelay $0x1  }
0x8a: {  	s1 =	srdreg.scid  }
0x8b: {  	s0 =	sand.u32 $0x1, s1  }
0x8c: {  	s17 =	sshll.u32 s0, $0xA;
	s2 =	sadd.s32 s3, s2  }
0x8d: {  	s2 =	sadd.s32 s2, s17  }
0x8e: {  	[smem:$0x3FB4] =	sst s2  }
0x8f: {  	_ = 	snop  }
0x90: {  	(tm) =	ssettm $0x1  }
0x91: {  	s18 =	sld [smem:$0x3FFB];
	_ =	sdelay $0x3  }
0x92: {  	_ =	strace s18  }
0x93: {  	s2 =	sld [smem:$0x3FFC];
	_ =	sdelay $0x3  }
0x94: {  	_ =	strace s2  }
0x95: {  	s2 =	sld [smem:$0x3FFD];
	_ =	sdelay $0x3  }
0x96: {  	_ =	strace s2  }
0x97: {  	_ =	strace $0x8FFFFFFF  }
0x98: {  	s19 =	sld [smem:$0x3FDB];
	_ =	sdelay $0x1  }
0x99: {  	s20 =	simm.s32 $_scs_section_size  }
0x9a: {  	s4 =	simm.s32 $_size__tile_overlayer_lowered;
	s5 =	simm.s32 $_tile_overlayer_lowered  }
0x9b: {  	s6 =	simm.s32 $0x1BFF;
	s21 =	sshll.u32 s5, $0x1;
	s3 =	sadd.s32 s20, s19  }
0x9c: {  	s22 =	simm.s32 $0x0;
	s4 =	sshll.u32 s4, $0x1;
	s5 =	sadd.s32 s21, s3  }
0x9d: {  	[timem:s22], [sflag:s6] =	dma.local [hbm:s5], s4  }
0x9e: {  	_ =	swait.ge [sflag:s6], s4  }
0x9f: {  	s4 =	ssub.s32 $0x0, s4;
	[sflag:s6] =	ssyncset.done $0x0  }
0xa0: {  	[sflag:s6] =	ssyncadd.s32 s4;
	_ =	sdelay $0x1  }
0xa1: {  	s23 =	simm.s32 $0x1B8B  }
0xa2: {  	_ =	swait.ge [sflag:s23], $0x1  }
0xa3: {  	[sflag:s23] =	ssyncset.done $0x0  }
0xa4: {  	[sflag:s23] =	ssyncadd.s32 $0xFFFFFFFF  }
0xa5: {  	s4 =	sld [smem:$0x0]  }
0xa6: {  	s5 =	sand.u32 $0xFFFFFFFE, s1  }
0xa7: {  	p0 =	sne.s32 s1, s5  }
0xa8: {  	s5 =	sshll.u32 @p0 s5, $0xE  }
0xa9: {  	s5 =	sadd.s32 @p0 $0x11B8D, s5;
	s6 =	sshll.u32 @p0 s4, $0x11  }
0xaa: {  	s5 =	sor.u32 @p0 s6, s5  }
0xab: {  	[sflag:s5] =	ssyncadd.remote.s32 @p0 $0x1;
	_ =	sdelay $0x1  }
0xac: {  	s5 =	simm.s32 @p0 $0x1B8D  }
0xad: {  	_ =	swait.eq @p0 [sflag:s5], $0x1  }
0xae: {  	[sflag:s5] =	ssyncadd.s32 @p0 $0xFFFFFFFF  }
0xaf: {  	s6 =	sshll.u32 @!p0 s1, $0xE  }
0xb0: {  	s6 =	sor.u32 @!p0 $0x4000, s6;
	s5 =	simm.s32 @!p0 $0x1B8D  }
0xb1: {  	s4 =	sshll.u32 @!p0 s4, $0x11;
	s6 =	sadd.s32 @!p0 $0x11B8D, s6;
	_ =	swait.eq @!p0 [sflag:s5], $0x1  }
0xb2: {  	s4 =	sor.u32 @!p0 s4, s6;
	[sflag:s5] =	ssyncadd.s32 @!p0 $0xFFFFFFFF  }
0xb3: {  	s25 =	simm.s32 $0x1B8E;
	s24 =	sld [smem:$0x3FFE];
	[sflag:s4] =	ssyncadd.remote.s32 @!p0 $0x1  }
0xb4: {  	s26 =	simm.s32 $execute0_lowered;
	[smem:$0x3FD2] =	sst s25  }
0xb5: {  	s5 =	sshll.u32 s26, $0x1;
	_ =	strace $0x8000004C;
	[dreg:$0x1] =	wrdreg $0xFFFFFFFF  }
0xb6: {  	s28 =	simm.s32 $_size_execute0_lowered;
	s3 =	sadd.s32 s3, s5;
	[dreg:$0x0] =	wrdreg $0x0  }
0xb7: {  	s5 =	sshll.u32 s28, $0x1;
	[dreg:$0x2] =	wrdreg s3  }
0xb8: {  	[dreg:$0x3] =	wrdreg s5  }
0xb9: {  	[dreg:$0x4] =	wrdreg $0xC0  }
0xba: {  	_ =	task [dreg:s22], $0x5FFFF  }
0xbb: {  	[dreg:$0x1] =	wrdreg $0xFFFFFFFF  }
0xbc: {  	[dreg:$0x0] =	wrdreg $0x60  }
0xbd: {  	[dreg:$0x2] =	wrdreg s24  }
0xbe: {  	[dreg:$0x3] =	wrdreg $0x82000  }
0xbf: {  	[dreg:$0x4] =	wrdreg $0xA  }
0xc0: {  	_ =	task.clear_ibuf [dreg:s22], $0x5FFFF;
	_ =	strace $0x9000004C  }
0xc1: {  	s29 =	simm.s32 $0xA;
	_ =	strace $0x8000004E  }
0xc2: {  	_ =	swait.ge [sflag:s29], $0x1  }
0xc3: {  	[sflag:s29] =	ssyncadd.s32 $0xFFFFFFFF  }
0xc4: {  	_ =	strace $0x9000004E  }
0xc5: {  	_ =	sfence  }
0xc6: {  	s30 =	sld [smem:$0x0];
	_ =	sdelay $0x2  }
0xc7: {  	s31 =	sshll.u32 s1, $0xD;
	s1 =	sshrl.u32 s1, $0x2  }
0xc8: {  	s4 =	sand.u32 $0x4000, s31;
	s1 =	sadd.s32 s1, s30  }
0xc9: {  	s0 =	sor.u32 s4, s0;
	s1 =	sshll.u32 s1, $0x11  }
0xca: {  	s0 =	sor.u32 s1, s0  }
0xcb: {  	s0 =	sadd.s32 $0x8F2B, s0  }
0xcc: {  	[sflag:s0] =	ssyncadd.remote.s32 $0x1  }
0xcd: {  	_ =	sfence.sel $0xFFFF  }
0xce: {  	[dreg:$0x0] =	wrdreg $0xFFFFFFFF;
	(pc) =	sbr.abs _section_cstart, $3  }
0xcf: {  	[dreg:$0x1] =	wrdreg $0xFFFFFFFF  }
0xd0: {  	_ =	task.clear_ibuf [dreg:s22], $0x2FFFF;
	_ =	strace $0x9FFFFFFF  }
0xd1: {  	(tm) =	ssettm $0x7FFFFFFF  }
tec
execute0_lowered:
.L_overlay_start_1:
0x0: {  	(tag) =	ssettag $0x1  }
0x1: {  	s5 =	rddreg [dreg:$0x0]  }
0x2: {  	s2 =	rddreg [dreg:$0x1]  }
0x3: {  	s0 =	rddreg [dreg:$0x2]  }
0x4: {  	s1 =	stileid.u32;
	s4 =	srdreg.scid;
	s3 =	simm.s32 $0x0  }
0x5: {  	s17 =	simm.s32 $0x40;
	s18 =	simm.s32 $0x80;
	s19 =	simm.s32 $0x2200  }
0x6: {  	s20 =	simm.s32 $0x0;
	s9 =	sand.u32 $0x1, s4;
	s21 =	smul.u32 $0x2800, s1  }
0x7: {  	[smem:$0x7FF] =	sst s3;
	s6 =	sshll.u32 s1, $0xC;
	s10 =	sadd.s32 $0x5C1000, s5  }
0x8: {  	s8 =	smul.u32 $0x50000, s1;
	s4 =	sadd.s32 $0x56E800, s5;
	s25 =	sshll.u32 s1, $0x1  }
0x9: {  	s28 =	sshll.u32 s1, $0x6;
	p0 =	slt.u32 s1, $0x2;
	s7 =	smul.u32 $0x28000, s9  }
0xa: {  	_ =	strace $0x8000004D;
	s11 =	sadd.s32 s6, s5;
	s23 =	ssub.s32 $0x2, s9  }
0xb: {  	s14 =	sshll.u32 s9, $0x5;
	s16 =	sshll.u32 s9, $0xB;
	s24 =	sshrl.u32 s23, $0x1  }
0xc: {  	s26 =	sshrl.u32 s8, $0x2;
	s14 =	sor.u32 s14, s28;
	s11 =	sadd.s32 s16, s11  }
0xd: {  	s16 =	simm.s32 $0x3;
	s22 =	sadd.s32 s21, s7;
	s12 =	ssub.s32 s23, s24  }
0xe: {  	s13 =	sadd.s32 s26, s2;
	s7 =	sor.u32 s9, s25;
	s15 =	sand.u32 $0x380, s14  }
0xf: {  	s14 =	sand.u32 $0x60, s14;
	s6 =	sadd.s32 s22, s5;
	s5 =	sor.u32 $0x1C07, s28  }
.Ltmp0:
0x10: {  	s7 =	sor.u32 $0x20, s7;
	s8 =	smax.u32 s12, $0x1;
	(pc) =	sbr.rel .LBB2_1-.Ltmp0, $4  }
0x11: {  	s29 =	sadd.s32 s15, s10;
	s12 =	sshrl.u32 s13, $0x3;
	s30 =	sshll.u32 s7, $0x5  }
0x12: {  	s13 =	simm.s32 $0x7;
	s6 =	sadd.s32 $0x8C800, s6;
	s15 =	sand.u32 $0x780, s30  }
0x13: {  	s9 =	sadd.s32 s14, s29;
	s31 =	sadd.s32 s15, s10;
	s10 =	sadd.s32 $0x5D4A00, s11  }
0x14: {  	s15 =	simm.s32 $0x1;
	s11 =	sadd.s32 s14, s31;
	s14 =	simm.s32 $0x200  }
.LBB2_5:
0x15: {  	s21 =	simm.s32 @!p0 $0x6  }
0x16: {  	_ =	swait.ge @!p0 [sflag:s21], $0x2000  }
0x17: {  	[sflag:s21] =	ssyncset.done @!p0 $0x0  }
0x18: {  	[sflag:s21] =	ssyncadd.s32 @!p0 $0xFFFFE000  }
0x19: {  	_ =	swait.ge @!p0 [sflag:s21], $0x2000  }
0x1a: {  	s20 =	sadd.s32 $0x1, s20;
	[sflag:s21] =	ssyncset.done @!p0 $0x0  }
0x1b: {  	p1 =	sne.s32 s20, s8;
	[sflag:s21] =	ssyncadd.s32 @!p0 $0xFFFFE000  }
.Ltmp1:
0x1c: {  	[bflag:$0x0] =	sbarrier.arrive $0xFFFF;
	(pc) =	sbr.rel @!p1 .LBB2_6-.Ltmp1, $4  }
0x1d: {  	[hbm:s6], [sflag:s5] =	dma.local [spmem:s12], $0x2800  }
0x1e: {  	_ =	swait.ge [sflag:s13], $0x2800  }
0x1f: {  	[sflag:s13] =	ssyncset.done $0x0  }
0x20: {  	[sflag:s13] =	ssyncadd.s32 $0xFFFFD800  }
.LBB2_1:
0x21: {  	[spmem:s12], [sflag:s5] =	dma.local [hbm:s4], $0x2800  }
.Ltmp2:
0x22: {  	_ =	swait.ge [sflag:s13], $0x2800;
	(pc) =	sbr.rel .LBB2_2-.Ltmp2, $4  }
0x23: {  	[sflag:s13] =	ssyncset.done $0x0  }
0x24: {  	[sflag:s13] =	ssyncadd.s32 $0xFFFFD800  }
0x25: {  	[bflag:$0x0] =	sbarrier.arrive $0xFFFF  }
0x26: {  	s21 =	smov.u32 s7;
	s22 =	smov.u32 s10;
	s23 =	simm.s32 $0x0  }
.LBB2_4:
0x27: {  	s23 =	sadd.s32 $0x800, s23  }
0x28: {  	p1 =	sne.s32 s23, $0x14000  }
.Ltmp3:
0x29: {  	_ = 	snop;
	(pc) =	sbr.rel @!p1 .LBB2_5-.Ltmp3, $2  }
0x2a: {  	_ =	sdelay $0x2  }
0x2b: {  	s22 =	sadd.s32 $0x20000, s22;
	s21 =	sadd.s32 $0x40, s21  }
.LBB2_2:
0x2c: {  	s24 =	sadd.s32 $0xFFFFFFE0, s21  }
0x2d: {  	p1 =	sgt.u32 s24, $0x9C3  }
.Ltmp4:
0x2e: {  	_ = 	snop;
	(pc) =	sbr.rel @p1 .LBB2_4-.Ltmp4, $1  }
0x2f: {  	_ =	sdelay $0x3  }
0x30: {  	s24 =	sadd.s32 s23, s9  }
0x31: {  	[tilespmem:s3], [sflag:$0x1] =	stream.linear.gather [hbm4b:s24+s3], $0x100, $0x38;
	[tilespmem:$0x1C200] =	vst v63  }
0x32: {  	_ = 	snop  }
0x33: {  	[tilespmem:s14], [sflag:$0x3] =	stream.linear.gather [hbm4b:s22+s3], $0x4000, $0x38;
	[tilespmem:$0x1C200] =	vst v63  }
0x34: {  	_ =	swait.ge [sflag:s15], $0x100  }
0x35: {  	[sflag:s15] =	ssyncset.done $0x0  }
0x36: {  	[sflag:s15] =	ssyncadd.s32 $0xFFFFFF00  }
0x37: {  	p1 =	sgt.u32 s21, $0x9C3;
	_ =	swait.ge [sflag:s16], $0x4000  }
0x38: {  	p2 =	seq.s32 @p1 s23, $0x0;
	[sflag:s16] =	ssyncset.done $0x0  }
0x39: {  	p2 =	por p2, !p1;
	[sflag:s16] =	ssyncadd.s32 $0xFFFFC000  }
0x3a: {  	[spmem:s2] =	stream.indirect.scatter.add.f32 [tilespmem:s14], [sflag:$0x5], $0x80, s3, s17, $0xb8;
	[tilespmem:$0x1C200] =	vst v63  }
0x3b: {  	s24 =	simm.s32 @!p2 $0x6  }
0x3c: {  	[spmem:s2] =	stream.indirect.scatter.add.f32 [tilespmem:s19], [sflag:$0x5], $0x80, s18, s17, $0xb8;
	[tilespmem:$0x1C200] =	vst v63  }
0x3d: {  	_ =	swait.ge @!p2 [sflag:s24], $0x2000  }
0x3e: {  	[sflag:s24] =	ssyncset.done @!p2 $0x0  }
0x3f: {  	[sflag:s24] =	ssyncadd.s32 @!p2 $0xFFFFE000  }
0x40: {  	_ =	swait.ge @!p2 [sflag:s24], $0x2000  }
0x41: {  	[sflag:s24] =	ssyncset.done @!p2 $0x0  }
0x42: {  	[sflag:s24] =	ssyncadd.s32 @!p2 $0xFFFFE000;
	s24 =	simm.s32 @p1 $0x5  }
0x43: {  	_ =	swait.ge @p1 [sflag:s24], $0x2000  }
0x44: {  	[sflag:s24] =	ssyncset.done @p1 $0x0  }
0x45: {  	[sflag:s24] =	ssyncadd.s32 @p1 $0xFFFFE000  }
0x46: {  	p2 =	seq.s32 @!p1 s23, $0x0;
	_ =	swait.ge @p1 [sflag:s24], $0x2000  }
0x47: {  	p2 =	por p2, p1;
	[sflag:s24] =	ssyncset.done @p1 $0x0  }
0x48: {  	[sflag:s24] =	ssyncadd.s32 @p1 $0xFFFFE000;
	s24 =	simm.s32 @!p2 $0x6  }
0x49: {  	_ =	swait.ge @!p2 [sflag:s24], $0x2000  }
0x4a: {  	[sflag:s24] =	ssyncset.done @!p2 $0x0  }
0x4b: {  	[sflag:s24] =	ssyncadd.s32 @!p2 $0xFFFFE000  }
0x4c: {  	_ =	swait.ge @!p2 [sflag:s24], $0x2000  }
0x4d: {  	s25 =	simm.s32 @!p1 $0x0;
	[sflag:s24] =	ssyncset.done @!p2 $0x0  }
0x4e: {  	s26 =	simm.s32 @!p1 $0x100;
	[sflag:s24] =	ssyncadd.s32 @!p2 $0xFFFFE000;
	s24 =	sadd.s32 @!p1 s23, s11  }
0x4f: {  	[tilespmem:s26], [sflag:$0x2] =	stream.linear.gather @!p1 [hbm4b:s24+s25], $0x100, $0x38;
	[tilespmem:$0x1C200] =	vst v63  }
0x50: {  	s28 =	simm.s32 @!p1 $0x4200;
	s24 =	sadd.s32 @!p1 $0x10000, s22  }
0x51: {  	[tilespmem:s28], [sflag:$0x4] =	stream.linear.gather @!p1 [hbm4b:s24+s25], $0x4000, $0x38;
	[tilespmem:$0x1C200] =	vst v63  }
0x52: {  	s24 =	simm.s32 @!p1 $0x5  }
0x53: {  	_ =	swait.ge @!p1 [sflag:s24], $0x2000  }
0x54: {  	[sflag:s24] =	ssyncset.done @!p1 $0x0  }
0x55: {  	[sflag:s24] =	ssyncadd.s32 @!p1 $0xFFFFE000  }
0x56: {  	_ =	swait.ge @!p1 [sflag:s24], $0x2000  }
0x57: {  	[sflag:s24] =	ssyncset.done @!p1 $0x0  }
0x58: {  	[sflag:s24] =	ssyncadd.s32 @!p1 $0xFFFFE000;
	s24 =	simm.s32 @!p1 $0x2  }
0x59: {  	_ =	swait.ge @!p1 [sflag:s24], $0x100  }
0x5a: {  	[sflag:s24] =	ssyncset.done @!p1 $0x0  }
0x5b: {  	[sflag:s24] =	ssyncadd.s32 @!p1 $0xFFFFFF00;
	s24 =	simm.s32 @!p1 $0x4  }
0x5c: {  	_ =	swait.ge @!p1 [sflag:s24], $0x4000  }
.Ltmp5:
0x5d: {  	[sflag:s24] =	ssyncset.done @!p1 $0x0;
	(pc) =	sbr.rel .LBB2_4-.Ltmp5, $4  }
0x5e: {  	[sflag:s24] =	ssyncadd.s32 @!p1 $0xFFFFC000;
	s24 =	simm.s32 @!p1 $0x40  }
0x5f: {  	[spmem:s2] =	stream.indirect.scatter.add.f32 @!p1 [tilespmem:s28], [sflag:$0x6], $0x80, s26, s24, $0xb8;
	[tilespmem:$0x1C200] =	vst v63  }
0x60: {  	s25 =	simm.s32 @!p1 $0x180;
	s26 =	simm.s32 @!p1 $0x6200  }
0x61: {  	[spmem:s2] =	stream.indirect.scatter.add.f32 @!p1 [tilespmem:s26], [sflag:$0x6], $0x80, s25, s24, $0xb8;
	[tilespmem:$0x1C200] =	vst v63  }
.LBB2_6:
0x62: {  	_ =	sfence.sel $0x180000  }
0x63: {  	[bflag:$0x0] =	sbarrier.arrive $0xFFFF  }
0x64: {  	p0 =	sne.s32 s1, $0x0;
	_ =	strace $0x9000004D  }
0x65: {  	s0 =	sadd.s32 @!p0 $0x100000, s0;
	[bflag:$0x2] =	sbarrier.arrive $0xFFFF  }
0x66: {  	[sflag:s0] =	ssyncadd.tile.s32 @!p0 $0x1;
	_ =	shalt  }
.Lfunc_end2:
_tile_overlayer_lowered:
.L_overlay_start_2:
0x67: {  	(tag) =	ssettag $0x2  }
0x68: {  	s0 =	rddreg [dreg:$0x0];
	s2 =	stileid.u32  }
0x69: {  	s1 =	rddreg [dreg:$0x1];
	p0 =	sne.s32 s2, $0x0  }
0x6a: {  	s3 =	rddreg [dreg:$0x2];
	[bflag:$0x3] =	sbarrier.arrive $0xFFFF;
	s2 =	simm.s32 @!p0 $0x1C07  }
0x6b: {  	[timem:s3], [sflag:s2] =	dma.local @!p0 [hbm:s0], s1  }
0x6c: {  	s0 =	simm.s32 @!p0 $0x7  }
0x6d: {  	_ =	swait.ge @!p0 [sflag:s0], s1  }
0x6e: {  	s1 =	ssub.s32 @!p0 $0x0, s1;
	[sflag:s0] =	ssyncset.done @!p0 $0x0  }
0x6f: {  	[sflag:s0] =	ssyncadd.s32 @!p0 s1  }
0x70: {  	[bflag:$0x3] =	sbarrier.arrive $0xFFFF  }
0x71: {  	_ =	shalt  }

// kernel: kernel.8.cloned.1.call-start
scs
__scs_entry_jumppad:
0x0: {  	(pc) =	sbr.rel $0x88, $3  }
0x1: {  	(tag) =	ssettag $0x0;
	lr =	simm.s32 $0x1  }
0x2: {  	[smem:$0x3F8D] =	sst lr;
	_ =	strace $0xD0000000  }
0x3: {  	_ = 	snop  }
0x4: {  	_ = 	snop  }
0x5: {  	_ = 	snop  }
0x6: {  	_ = 	snop  }
0x7: {  	_ = 	snop  }
__scs_overlays_trampoline_lowered:
0x8: {  	[smem:$0x3F9C] =	sst s0  }
0x9: {  	[smem:$0x3F9D] =	sst s1  }
0xa: {  	[smem:$0x3F9E] =	sst s2  }
0xb: {  	[smem:$0x3F9F] =	sst s3  }
0xc: {  	[smem:$0x3FA0] =	sst s4  }
0xd: {  	[smem:$0x3FA1] =	sst s5  }
0xe: {  	[smem:$0x3FA2] =	sst s6  }
0xf: {  	[smem:$0x3FA3] =	sst s7  }
0x10: {  	[smem:$0x3FA4] =	sst s8  }
0x11: {  	[smem:$0x3FA5] =	sst s9;
	s0 =	simm.s32 @!p0 $0x0  }
0x12: {  	s1 =	sld [smem:$0x3F8B];
	s0 =	simm.s32 @p0 $0x1  }
0x13: {  	[smem:$0x3FA6] =	sst s0;
	s0 =	simm.s32 @!p1 $0x0  }
0x14: {  	s2 =	sld [smem:$0x3F8A];
	s0 =	simm.s32 @p1 $0x1  }
0x15: {  	[smem:$0x3FA7] =	sst s0;
	s0 =	simm.s32 @!p2 $0x0  }
0x16: {  	s3 =	sld [smem:$0x3FDB];
	s0 =	simm.s32 @p2 $0x1  }
0x17: {  	s4 =	simm.s32 $0x1BF5;
	[smem:$0x3FA9] =	sst s0  }
0x18: {  	s0 =	sld [smem:$0x3F8C];
	_ =	swait.ge [sflag:s4], $0x0  }
0x19: {  	s7 =	sld [smem:$0x3F8D]  }
0x1a: {  	s8 =	sadd.s32 $0xFFFFE003, lr  }
0x1b: {  	s9 =	sadd.s32 $0xFFFFFEF7, lr;
	s5 =	simm.s32 $0xFFFFFFFF;
	p2 =	slt.u32 s8, $0xFFFFF086  }
0x1c: {  	p1 =	slt.u32 s9, $0xF7A;
	s5 =	simm.s32 @!p2 $0x0  }
0x1d: {  	s5 =	simm.s32 @p1 $0x1;
	p0 =	seq.s32 s7, s2  }
0x1e: {  	s7 =	smul.u32 @!p0 $0xF7A, s2;
	p2 =	seq.s32 @!p0 s5, $0x0  }
0x1f: {  	s9 =	smul.u32 $0xF7A, s1;
	s8 =	simm.s32 @!p0 $0x1BF5;
	p2 =	por !p2, p0  }
0x20: {  	[sflag:s8] =	ssyncset.s32 @!p0 $0xFFFFF086;
	s6 =	sadd.s32 @!p0 s3, s7;
	s7 =	simm.s32 @!p0 $0x108  }
0x21: {  	s3 =	sadd.s32 s3, s9;
	s6 =	sadd.s32 @!p0 $0x88, s6;
	s7 =	simm.s32 @p2 $0x1082  }
0x22: {  	[simem:s7], [sflag:s8] =	dma.local @!p0 [hbm:s6], $0xF7A  }
0x23: {  	s9 =	sor.u32 $0xD0000000, s2;
	s6 =	simm.s32 $0x108;
	_ =	swait.ge @!p0 [sflag:s8], $0x0  }
0x24: {  	s3 =	sadd.s32 $0x88, s3;
	s6 =	simm.s32 @!p1 $0x1082;
	[sflag:s4] =	ssyncset.s32 $0xFFFFF086  }
0x25: {  	[simem:s6], [sflag:s4] =	dma.local [hbm:s3], $0xF7A  }
0x26: {  	[smem:$0x3F8D] =	sst s1;
	(tag) =	ssettag s2;
	_ =	strace s9  }
0x27: {  	s1 =	sld [smem:$0x3F9D]  }
0x28: {  	s2 =	sld [smem:$0x3F9E]  }
0x29: {  	s4 =	sld [smem:$0x3FA0]  }
0x2a: {  	p0 =	seq.s32 s5, $0x0;
	s5 =	sld [smem:$0x3FA1]  }
0x2b: {  	s6 =	sld [smem:$0x3FA2]  }
0x2c: {  	s7 =	sld [smem:$0x3FA3]  }
0x2d: {  	s3 =	simm.s32 $0x108;
	s8 =	sld [smem:$0x3FA4]  }
0x2e: {  	s3 =	simm.s32 @!p0 $0x1082;
	s9 =	sld [smem:$0x3FA5]  }
0x2f: {  	lr =	sadd.s32 s0, s3;
	s0 =	sld [smem:$0x3F9C]  }
0x30: {  	s3 =	sld [smem:$0x3F9F]  }
0x31: {  	[smem:$0x3FA8] =	sst s10  }
0x32: {  	s10 =	sld [smem:$0x3FA6];
	_ =	sdelay $0x3  }
0x33: {  	p0 =	seq.s32 s10, $0x1;
	s10 =	sld [smem:$0x3FA8];
	_ =	sdelay $0x3  }
0x34: {  	[smem:$0x3FA8] =	sst s10  }
0x35: {  	s10 =	sld [smem:$0x3FA7];
	_ =	sdelay $0x3  }
0x36: {  	p1 =	seq.s32 s10, $0x1;
	s10 =	sld [smem:$0x3FA8];
	_ =	sdelay $0x3  }
0x37: {  	[smem:$0x3FA8] =	sst s10  }
0x38: {  	s10 =	sld [smem:$0x3FA9]  }
0x39: {  	_ = 	snop;
	(pc) =	sbr.ind lr, $3  }
0x3a: {  	_ = 	snop  }
0x3b: {  	_ = 	snop  }
0x3c: {  	p2 =	seq.s32 s10, $0x1;
	s10 =	sld [smem:$0x3FA8]  }
0x3d: {  	_ =	shalt  }
0x3e: {  	_ =	shalt  }
0x3f: {  	_ =	shalt  }
0x40: {  	_ =	shalt  }
0x41: {  	_ =	shalt  }
0x42: {  	_ =	shalt  }
0x43: {  	_ =	shalt  }
0x44: {  	_ =	shalt  }
0x45: {  	_ =	shalt  }
0x46: {  	_ =	shalt  }
0x47: {  	_ =	shalt  }
0x48: {  	_ =	shalt  }
0x49: {  	_ =	shalt  }
0x4a: {  	_ =	shalt  }
0x4b: {  	_ =	shalt  }
0x4c: {  	_ =	shalt  }
0x4d: {  	_ =	shalt  }
0x4e: {  	_ =	shalt  }
0x4f: {  	_ =	shalt  }
0x50: {  	_ =	shalt  }
0x51: {  	_ =	shalt  }
0x52: {  	_ =	shalt  }
0x53: {  	_ =	shalt  }
0x54: {  	_ =	shalt  }
0x55: {  	_ =	shalt  }
0x56: {  	_ =	shalt  }
0x57: {  	_ =	shalt  }
0x58: {  	_ =	shalt  }
0x59: {  	_ =	shalt  }
0x5a: {  	_ =	shalt  }
0x5b: {  	_ =	shalt  }
0x5c: {  	_ =	shalt  }
0x5d: {  	_ =	shalt  }
0x5e: {  	_ =	shalt  }
0x5f: {  	_ =	shalt  }
0x60: {  	_ =	shalt  }
0x61: {  	_ =	shalt  }
0x62: {  	_ =	shalt  }
0x63: {  	_ =	shalt  }
0x64: {  	_ =	shalt  }
0x65: {  	_ =	shalt  }
0x66: {  	_ =	shalt  }
0x67: {  	_ =	shalt  }
0x68: {  	_ =	shalt  }
0x69: {  	_ =	shalt  }
0x6a: {  	_ =	shalt  }
0x6b: {  	_ =	shalt  }
0x6c: {  	_ =	shalt  }
0x6d: {  	_ =	shalt  }
0x6e: {  	_ =	shalt  }
0x6f: {  	_ =	shalt  }
0x70: {  	_ =	shalt  }
0x71: {  	_ =	shalt  }
0x72: {  	_ =	shalt  }
0x73: {  	_ =	shalt  }
0x74: {  	_ =	shalt  }
0x75: {  	_ =	shalt  }
0x76: {  	_ =	shalt  }
0x77: {  	_ =	shalt  }
0x78: {  	_ =	shalt  }
0x79: {  	_ =	shalt  }
0x7a: {  	_ =	shalt  }
0x7b: {  	_ =	shalt  }
0x7c: {  	_ =	shalt  }
0x7d: {  	_ =	shalt  }
0x7e: {  	_ =	shalt  }
0x7f: {  	_ =	shalt  }
0x80: {  	_ =	shalt  }
0x81: {  	_ =	shalt  }
0x82: {  	_ =	shalt  }
0x83: {  	_ =	shalt  }
0x84: {  	_ =	shalt  }
0x85: {  	_ =	shalt  }
0x86: {  	_ =	shalt  }
0x87: {  	_ =	shalt  }
.Lfunc_end0:
.L_simem_size_0:
called_computation_lowered:
.L_overlay_start_0:
0x88: {  	s2 =	sld [smem:$0x3FD9]  }
0x89: {  	s3 =	sld [smem:$0x3FFE];
	_ =	sdelay $0x1  }
0x8a: {  	s1 =	srdreg.scid  }
0x8b: {  	s0 =	sand.u32 $0x1, s1  }
0x8c: {  	s16 =	sshll.u32 s0, $0xA;
	s2 =	sadd.s32 s3, s2  }
0x8d: {  	s2 =	sadd.s32 s2, s16  }
0x8e: {  	[smem:$0x3FB4] =	sst s2  }
0x8f: {  	_ = 	snop  }
0x90: {  	(tm) =	ssettm $0x1  }
0x91: {  	s17 =	sld [smem:$0x3FFB];
	_ =	sdelay $0x3  }
0x92: {  	_ =	strace s17  }
0x93: {  	s2 =	sld [smem:$0x3FFC];
	_ =	sdelay $0x3  }
0x94: {  	_ =	strace s2  }
0x95: {  	s2 =	sld [smem:$0x3FFD];
	_ =	sdelay $0x3  }
0x96: {  	_ =	strace s2  }
0x97: {  	_ =	strace $0x8FFFFFFF  }
0x98: {  	s18 =	sld [smem:$0x3FDB];
	_ =	sdelay $0x1  }
0x99: {  	s19 =	simm.s32 $_scs_section_size  }
0x9a: {  	s4 =	simm.s32 $_size__tile_overlayer_lowered;
	s5 =	simm.s32 $_tile_overlayer_lowered  }
0x9b: {  	s22 =	simm.s32 $0x1BFF;
	s21 =	sshll.u32 s5, $0x1;
	s2 =	sadd.s32 s19, s18  }
0x9c: {  	s6 =	simm.s32 $0x0;
	s20 =	sshll.u32 s4, $0x1;
	s4 =	sadd.s32 s21, s2  }
0x9d: {  	[timem:s6], [sflag:s22] =	dma.local [hbm:s4], s20  }
0x9e: {  	_ =	swait.ge [sflag:s22], s20  }
0x9f: {  	s3 =	ssub.s32 $0x0, s20;
	[sflag:s22] =	ssyncset.done $0x0  }
0xa0: {  	[sflag:s22] =	ssyncadd.s32 s3;
	_ =	sdelay $0x1  }
0xa1: {  	s23 =	simm.s32 $0x1B8B  }
0xa2: {  	_ =	swait.ge [sflag:s23], $0x1  }
0xa3: {  	[sflag:s23] =	ssyncset.done $0x0  }
0xa4: {  	s25 =	simm.s32 $0x1B8E;
	s24 =	sld [smem:$0x3FFE];
	[sflag:s23] =	ssyncadd.s32 $0xFFFFFFFF  }
0xa5: {  	s26 =	simm.s32 $execute0_lowered;
	[smem:$0x3FD2] =	sst s25  }
0xa6: {  	s4 =	sshll.u32 s26, $0x1;
	_ =	strace $0x80000046;
	[dreg:$0x1] =	wrdreg $0xFFFFFFFF  }
0xa7: {  	s28 =	simm.s32 $_size_execute0_lowered;
	s2 =	sadd.s32 s2, s4;
	[dreg:$0x0] =	wrdreg $0x0  }
0xa8: {  	s4 =	sshll.u32 s28, $0x1;
	[dreg:$0x2] =	wrdreg s2  }
0xa9: {  	[dreg:$0x3] =	wrdreg s4  }
0xaa: {  	[dreg:$0x4] =	wrdreg $0xC0  }
0xab: {  	_ =	task [dreg:s6], $0x5FFFF  }
0xac: {  	[dreg:$0x1] =	wrdreg $0xFFFFFFFF  }
0xad: {  	[dreg:$0x0] =	wrdreg $0x60  }
0xae: {  	[dreg:$0x2] =	wrdreg s24  }
0xaf: {  	[dreg:$0x3] =	wrdreg $0xA  }
0xb0: {  	_ =	task.clear_ibuf [dreg:s6], $0x4FFFF;
	_ =	strace $0x90000046  }
0xb1: {  	s29 =	simm.s32 $0xA;
	_ =	strace $0x80000048  }
0xb2: {  	_ =	swait.ge [sflag:s29], $0x1  }
0xb3: {  	[sflag:s29] =	ssyncadd.s32 $0xFFFFFFFF  }
0xb4: {  	_ =	strace $0x90000048  }
0xb5: {  	_ =	sfence  }
0xb6: {  	s30 =	sld [smem:$0x0];
	_ =	sdelay $0x2  }
0xb7: {  	s31 =	sshll.u32 s1, $0xD;
	s1 =	sshrl.u32 s1, $0x2  }
0xb8: {  	s3 =	sand.u32 $0x4000, s31;
	s1 =	sadd.s32 s1, s30  }
0xb9: {  	s0 =	sor.u32 s3, s0;
	s1 =	sshll.u32 s1, $0x11  }
0xba: {  	s0 =	sor.u32 s1, s0  }
0xbb: {  	s0 =	sadd.s32 $0x8F2B, s0  }
0xbc: {  	[sflag:s0] =	ssyncadd.remote.s32 $0x1  }
0xbd: {  	_ =	sfence.sel $0xFFFF  }
0xbe: {  	[dreg:$0x0] =	wrdreg $0xFFFFFFFF;
	(pc) =	sbr.abs _section_cstart, $3  }
0xbf: {  	[dreg:$0x1] =	wrdreg $0xFFFFFFFF  }
0xc0: {  	_ =	task.clear_ibuf [dreg:s6], $0x2FFFF;
	_ =	strace $0x9FFFFFFF  }
0xc1: {  	(tm) =	ssettm $0x7FFFFFFF  }
tec
execute0_lowered:
.L_overlay_start_1:
0x0: {  	(tag) =	ssettag $0x1  }
0x1: {  	s0 =	rddreg [dreg:$0x0]  }
0x2: {  	s1 =	simm.s32 $0x0;
	s3 =	srdreg.scid;
	s10 =	stileid.u32  }
0x3: {  	s12 =	simm.s32 $0x100;
	s13 =	simm.s32 $0x2;
	s14 =	simm.s32 $0x5  }
0x4: {  	s15 =	simm.s32 $0x80;
	s16 =	simm.s32 $0x400;
	s17 =	simm.s32 $0x6  }
0x5: {  	s31 =	simm.s32 $0x180;
	s18 =	simm.s32 $0x4400;
	s19 =	simm.s32 $0x0  }
0x6: {  	[smem:$0x7FF] =	sst s1;
	s2 =	sadd.s32 $0xD400, s0;
	s3 =	sand.u32 $0x1, s3  }
0x7: {  	s4 =	sadd.s32 $0x3600, s0;
	s5 =	sadd.s32 $0x17200, s0;
	s6 =	sadd.s32 $0x3E400, s0  }
0x8: {  	s9 =	sshll.u32 s10, $0xD;
	s24 =	sshll.u32 s10, $0x1;
	s26 =	sshll.u32 s10, $0x6  }
0x9: {  	_ =	strace $0x80000047;
	s7 =	ssub.s32 $0x2, s3;
	s0 =	sadd.s32 s9, s0  }
0xa: {  	s25 =	sor.u32 s3, s24;
	s28 =	sshll.u32 s3, $0x5;
	s8 =	sshrl.u32 s7, $0x1  }
0xb: {  	s3 =	sshll.u32 s3, $0xC;
	[dreg:$0x2] =	wrdreg s31;
	s7 =	ssub.s32 s7, s8  }
0xc: {  	s0 =	sadd.s32 s3, s0;
	s8 =	sor.u32 $0x20, s25;
	s7 =	smax.u32 s7, $0x1  }
0xd: {  	s29 =	sshll.u32 s8, $0x5;
	[dreg:$0x3] =	wrdreg s7;
	s7 =	sor.u32 s28, s26  }
0xe: {  	s30 =	sand.u32 $0x780, s29;
	[dreg:$0x5] =	wrdreg s7;
	s7 =	sand.u32 $0x60, s7  }
0xf: {  	s10 =	sadd.s32 $0x8C800, s0;
	[dreg:$0x4] =	wrdreg s8;
	s11 =	sor.u32 s7, s30  }
.LBB2_1:
0x10: {  	s9 =	rddreg [dreg:$0x5]  }
0x11: {  	s8 =	rddreg [dreg:$0x4]  }
0x12: {  	s0 =	sadd.s32 s9, s2;
	p0 =	sgt.u32 s8, $0x4E1  }
0x13: {  	[tilespmem:s1], [sflag:$0x1] =	stream.linear.gather [hbm4b:s0+s1], $0x100, $0x38;
	[tilespmem:$0x10400] =	vst v63  }
0x14: {  	s29 =	sadd.s32 s9, s4;
	s0 =	simm.s32 @p0 $0x1  }
0x15: {  	[tilespmem:s12], [sflag:$0x2] =	stream.linear.gather [hbm4b:s29+s1], $0x100, $0x38;
	[tilespmem:$0x10400] =	vst v63  }
0x16: {  	_ =	swait.ge @p0 [sflag:s0], $0x100  }
0x17: {  	s3 =	simm.s32 @p0 $0x400;
	[sflag:s0] =	ssyncset.done @p0 $0x0  }
0x18: {  	s7 =	simm.s32 @p0 $0x80;
	s20 =	simm.s32 @p0 $0x0;
	[sflag:s0] =	ssyncadd.s32 @p0 $0xFFFFFF00  }
0x19: {  	[tilespmem:s3], [sflag:$0x5] =	stream.indirect.gather @p0 [hbm4b:s5+s7], $0x80, s20, s7, $0xb8;
	[tilespmem:$0x10400] =	vst v63  }
0x1a: {  	s0 =	simm.s32 @p0 $0x4400  }
0x1b: {  	[tilespmem:s0], [sflag:$0x6] =	stream.indirect.gather @p0 [hbm4b:s5+s7], $0x80, s7, s7, $0xb8;
	[tilespmem:$0x10400] =	vst v63  }
0x1c: {  	s3 =	sadd.s32 @!p0 s11, s2;
	s0 =	simm.s32 @!p0 $0x0;
	s7 =	simm.s32 @!p0 $0x200  }
0x1d: {  	[tilespmem:s7], [sflag:$0x3] =	stream.linear.gather @!p0 [hbm4b:s3+s0], $0x100, $0x38;
	[tilespmem:$0x10400] =	vst v63  }
0x1e: {  	s21 =	simm.s32 @!p0 $0x1;
	s20 =	simm.s32 @!p0 $0x300;
	s3 =	sadd.s32 @!p0 s11, s4  }
0x1f: {  	[tilespmem:s20], [sflag:$0x4] =	stream.linear.gather @!p0 [hbm4b:s3+s0], $0x100, $0x38;
	[tilespmem:$0x10400] =	vst v63  }
0x20: {  	_ =	swait.ge @!p0 [sflag:s21], $0x100  }
0x21: {  	[sflag:s21] =	ssyncset.done @!p0 $0x0  }
0x22: {  	s22 =	simm.s32 @!p0 $0x400;
	s3 =	simm.s32 @!p0 $0x80;
	[sflag:s21] =	ssyncadd.s32 @!p0 $0xFFFFFF00  }
0x23: {  	[tilespmem:s22], [sflag:$0x5] =	stream.indirect.gather @!p0 [hbm4b:s5+s3], $0x80, s0, s3, $0xb8;
	[tilespmem:$0x10400] =	vst v63  }
0x24: {  	s21 =	simm.s32 @!p0 $0x4400;
	s22 =	simm.s32 @!p0 $0x3  }
0x25: {  	[tilespmem:s21], [sflag:$0x6] =	stream.indirect.gather @!p0 [hbm4b:s5+s3], $0x80, s3, s3, $0xb8;
	[tilespmem:$0x10400] =	vst v63  }
0x26: {  	_ =	swait.ge @!p0 [sflag:s22], $0x100  }
0x27: {  	[sflag:s22] =	ssyncset.done @!p0 $0x0  }
0x28: {  	s21 =	simm.s32 @!p0 $0x8400;
	[sflag:s22] =	ssyncadd.s32 @!p0 $0xFFFFFF00  }
0x29: {  	[tilespmem:s21], [sflag:$0x7] =	stream.indirect.gather @!p0 [hbm4b:s5+s3], $0x80, s7, s3, $0xb8;
	[tilespmem:$0x10400] =	vst v63  }
0x2a: {  	s22 =	simm.s32 @!p0 $0xC400;
	s7 =	simm.s32 @!p0 $0x280  }
0x2b: {  	[tilespmem:s22], [sflag:$0x8] =	stream.indirect.gather @!p0 [hbm4b:s5+s3], $0x80, s7, s3, $0xb8;
	[tilespmem:$0x10400] =	vst v63  }
0x2c: {  	_ =	swait.ge [sflag:s13], $0x100  }
0x2d: {  	[sflag:s13] =	ssyncset.done $0x0  }
0x2e: {  	[sflag:s13] =	ssyncadd.s32 $0xFFFFFF00  }
0x2f: {  	_ =	swait.ge [sflag:s14], $0x4000  }
0x30: {  	[sflag:s14] =	ssyncset.done $0x0  }
0x31: {  	[sflag:s14] =	ssyncadd.s32 $0xFFFFC000  }
0x32: {  	[tilespmem:s16], [sflag:$0x5] =	stream.indirect.gather.add.f32 [hbm:s6], $0x80, s12, s15, $0xb8;
	[tilespmem:$0x10400] =	vst v63  }
0x33: {  	_ =	swait.ge [sflag:s17], $0x4000  }
0x34: {  	[sflag:s17] =	ssyncset.done $0x0  }
0x35: {  	s23 =	simm.s32 @!p0 $0x4;
	s30 =	rddreg [dreg:$0x2];
	[sflag:s17] =	ssyncadd.s32 $0xFFFFC000  }
0x36: {  	[tilespmem:s18], [sflag:$0x6] =	stream.indirect.gather.add.f32 [hbm:s6], $0x80, s30, s15, $0xb8;
	[tilespmem:$0x10400] =	vst v63  }
0x37: {  	_ =	swait.ge @!p0 [sflag:s23], $0x100  }
0x38: {  	[sflag:s23] =	ssyncset.done @!p0 $0x0  }
0x39: {  	s7 =	simm.s32 @!p0 $0x7;
	[sflag:s23] =	ssyncadd.s32 @!p0 $0xFFFFFF00  }
0x3a: {  	_ =	swait.ge @!p0 [sflag:s7], $0x4000  }
0x3b: {  	[sflag:s7] =	ssyncset.done @!p0 $0x0  }
0x3c: {  	s23 =	simm.s32 @!p0 $0x8;
	[sflag:s7] =	ssyncadd.s32 @!p0 $0xFFFFC000  }
0x3d: {  	[tilespmem:s21], [sflag:$0x7] =	stream.indirect.gather.add.f32 @!p0 [hbm:s6], $0x80, s20, s3, $0xb8;
	[tilespmem:$0x10400] =	vst v63  }
0x3e: {  	_ =	swait.ge @!p0 [sflag:s23], $0x4000  }
0x3f: {  	[sflag:s23] =	ssyncset.done @!p0 $0x0  }
0x40: {  	s20 =	simm.s32 @!p0 $0x380;
	[sflag:s23] =	ssyncadd.s32 @!p0 $0xFFFFC000  }
0x41: {  	[tilespmem:s22], [sflag:$0x8] =	stream.indirect.gather.add.f32 @!p0 [hbm:s6], $0x80, s20, s3, $0xb8;
	[tilespmem:$0x10400] =	vst v63  }
0x42: {  	_ =	swait.ge [sflag:s14], $0x4000  }
0x43: {  	[sflag:s14] =	ssyncset.done $0x0  }
0x44: {  	s31 =	sadd.s32 $0x0, s10;
	[sflag:s14] =	ssyncadd.s32 $0xFFFFC000  }
0x45: {  	[hbm4b:s31+s1] =	stream.linear.scatter [tilespmem:s16], [sflag:$0x9], $0x4000, $0x38;
	[tilespmem:$0x10400] =	vst v63  }
0x46: {  	_ =	swait.ge [sflag:s17], $0x4000  }
0x47: {  	[sflag:s17] =	ssyncset.done $0x0  }
0x48: {  	s3 =	sadd.s32 $0x800, s31;
	[sflag:s17] =	ssyncadd.s32 $0xFFFFC000  }
0x49: {  	[hbm4b:s3+s1] =	stream.linear.scatter [tilespmem:s18], [sflag:$0xA], $0x4000, $0x38;
	[tilespmem:$0x10400] =	vst v63  }
0x4a: {  	_ =	swait.ge @!p0 [sflag:s7], $0x4000  }
0x4b: {  	s3 =	sadd.s32 @!p0 $0x0, s10;
	[sflag:s7] =	ssyncset.done @!p0 $0x0  }
0x4c: {  	[sflag:s7] =	ssyncadd.s32 @!p0 $0xFFFFC000;
	s7 =	sadd.s32 @!p0 $0x20000, s3  }
0x4d: {  	[hbm4b:s7+s0] =	stream.linear.scatter @!p0 [tilespmem:s21], [sflag:$0xB], $0x4000, $0x38;
	[tilespmem:$0x10400] =	vst v63  }
0x4e: {  	_ =	swait.ge @!p0 [sflag:s23], $0x4000  }
0x4f: {  	[sflag:s23] =	ssyncset.done @!p0 $0x0  }
0x50: {  	s3 =	sadd.s32 @!p0 $0x20800, s3;
	s7 =	simm.s32 @!p0 $0x9;
	[sflag:s23] =	ssyncadd.s32 @!p0 $0xFFFFC000  }
0x51: {  	[hbm4b:s3+s0] =	stream.linear.scatter @!p0 [tilespmem:s22], [sflag:$0xC], $0x4000, $0x38;
	[tilespmem:$0x10400] =	vst v63  }
0x52: {  	_ =	swait.ge @!p0 [sflag:s7], $0x4000  }
0x53: {  	[sflag:s7] =	ssyncset.done @!p0 $0x0  }
0x54: {  	s0 =	simm.s32 @!p0 $0xA;
	[sflag:s7] =	ssyncadd.s32 @!p0 $0xFFFFC000  }
0x55: {  	_ =	swait.ge @!p0 [sflag:s0], $0x4000  }
0x56: {  	s3 =	simm.s32 @!p0 $0xB;
	[sflag:s0] =	ssyncset.done @!p0 $0x0  }
0x57: {  	s3 =	simm.s32 @p0 $0x9;
	[sflag:s0] =	ssyncadd.s32 @!p0 $0xFFFFC000  }
0x58: {  	s24 =	simm.s32 @!p0 $0xC;
	_ =	swait.ge [sflag:s3], $0x4000  }
0x59: {  	s24 =	simm.s32 @p0 $0xA;
	[sflag:s3] =	ssyncset.done $0x0  }
0x5a: {  	s20 =	simm.s32 $0x40000;
	s21 =	sadd.s32 $0x40, s8;
	[sflag:s3] =	ssyncadd.s32 $0xFFFFC000  }
0x5b: {  	s23 =	smov.u32 s11;
	s22 =	sadd.s32 $0x800, s9;
	_ =	swait.ge [sflag:s24], $0x4000  }
.LBB2_2:
0x5c: {  	[sflag:s24] =	ssyncset.done $0x0  }
0x5d: {  	s0 =	sadd.s32 s22, s2;
	p1 =	sgt.u32 s21, $0x4E1;
	[sflag:s24] =	ssyncadd.s32 $0xFFFFC000  }
0x5e: {  	[tilespmem:s1], [sflag:$0x1] =	stream.linear.gather [hbm4b:s0+s1], $0x100, $0x38;
	[tilespmem:$0x10400] =	vst v63  }
0x5f: {  	s28 =	sadd.s32 s22, s4;
	s0 =	simm.s32 @p1 $0x1  }
0x60: {  	[tilespmem:s12], [sflag:$0x2] =	stream.linear.gather [hbm4b:s28+s1], $0x100, $0x38;
	[tilespmem:$0x10400] =	vst v63  }
0x61: {  	s23 =	sadd.s32 $0x800, s23;
	s29 =	smov.u32 s20;
	_ =	swait.ge @p1 [sflag:s0], $0x100  }
0x62: {  	s3 =	sadd.s32 @!p1 s29, s10;
	s7 =	simm.s32 @p1 $0x400;
	[sflag:s0] =	ssyncset.done @p1 $0x0  }
0x63: {  	s24 =	simm.s32 @p1 $0x80;
	s30 =	simm.s32 @p1 $0x0;
	[sflag:s0] =	ssyncadd.s32 @p1 $0xFFFFFF00  }
0x64: {  	[tilespmem:s7], [sflag:$0x5] =	stream.indirect.gather @p1 [hbm4b:s5+s24], $0x80, s30, s24, $0xb8;
	[tilespmem:$0x10400] =	vst v63  }
0x65: {  	s8 =	simm.s32 @!p1 $0x200;
	s31 =	simm.s32 @!p1 $0x1;
	s0 =	simm.s32 @p1 $0x4400  }
0x66: {  	[tilespmem:s0], [sflag:$0x6] =	stream.indirect.gather @p1 [hbm4b:s5+s24], $0x80, s24, s24, $0xb8;
	[tilespmem:$0x10400] =	vst v63  }
0x67: {  	s26 =	sadd.s32 @!p1 $0x20800, s3;
	s7 =	sadd.s32 @!p1 s23, s2;
	s30 =	simm.s32 @!p1 $0x0  }
0x68: {  	[tilespmem:s8], [sflag:$0x3] =	stream.linear.gather @!p1 [hbm4b:s7+s30], $0x100, $0x38;
	[tilespmem:$0x10400] =	vst v63  }
0x69: {  	s28 =	sadd.s32 @!p1 $0x20000, s3;
	s3 =	simm.s32 @!p1 $0x300;
	s0 =	sadd.s32 @!p1 s23, s4  }
0x6a: {  	[tilespmem:s3], [sflag:$0x4] =	stream.linear.gather @!p1 [hbm4b:s0+s30], $0x100, $0x38;
	[tilespmem:$0x10400] =	vst v63  }
0x6b: {  	_ =	swait.ge @!p1 [sflag:s31], $0x100  }
0x6c: {  	[sflag:s31] =	ssyncset.done @!p1 $0x0  }
0x6d: {  	s7 =	simm.s32 @!p1 $0x80;
	s0 =	simm.s32 @!p1 $0x400;
	[sflag:s31] =	ssyncadd.s32 @!p1 $0xFFFFFF00  }
0x6e: {  	[tilespmem:s0], [sflag:$0x5] =	stream.indirect.gather @!p1 [hbm4b:s5+s7], $0x80, s30, s7, $0xb8;
	[tilespmem:$0x10400] =	vst v63  }
0x6f: {  	s9 =	simm.s32 @!p1 $0x3;
	s31 =	simm.s32 @!p1 $0x4400  }
0x70: {  	[tilespmem:s31], [sflag:$0x6] =	stream.indirect.gather @!p1 [hbm4b:s5+s7], $0x80, s7, s7, $0xb8;
	[tilespmem:$0x10400] =	vst v63  }
0x71: {  	_ =	swait.ge @!p1 [sflag:s9], $0x100  }
0x72: {  	[sflag:s9] =	ssyncset.done @!p1 $0x0  }
0x73: {  	s0 =	simm.s32 @!p1 $0x8400;
	[sflag:s9] =	ssyncadd.s32 @!p1 $0xFFFFFF00  }
0x74: {  	[tilespmem:s0], [sflag:$0x7] =	stream.indirect.gather @!p1 [hbm4b:s5+s7], $0x80, s8, s7, $0xb8;
	[tilespmem:$0x10400] =	vst v63  }
0x75: {  	s31 =	simm.s32 @!p1 $0xC400;
	s9 =	simm.s32 @!p1 $0x280  }
0x76: {  	[tilespmem:s31], [sflag:$0x8] =	stream.indirect.gather @!p1 [hbm4b:s5+s7], $0x80, s9, s7, $0xb8;
	[tilespmem:$0x10400] =	vst v63  }
0x77: {  	_ =	swait.ge [sflag:s13], $0x100  }
0x78: {  	[sflag:s13] =	ssyncset.done $0x0  }
0x79: {  	[sflag:s13] =	ssyncadd.s32 $0xFFFFFF00  }
0x7a: {  	_ =	swait.ge [sflag:s14], $0x4000  }
0x7b: {  	[sflag:s14] =	ssyncset.done $0x0  }
0x7c: {  	[sflag:s14] =	ssyncadd.s32 $0xFFFFC000  }
0x7d: {  	[tilespmem:s16], [sflag:$0x5] =	stream.indirect.gather.add.f32 [hbm:s6], $0x80, s12, s15, $0xb8;
	[tilespmem:$0x10400] =	vst v63  }
0x7e: {  	_ =	swait.ge [sflag:s17], $0x4000  }
0x7f: {  	[sflag:s17] =	ssyncset.done $0x0  }
0x80: {  	s9 =	simm.s32 @!p1 $0x4;
	s8 =	rddreg [dreg:$0x2];
	[sflag:s17] =	ssyncadd.s32 $0xFFFFC000  }
0x81: {  	[tilespmem:s18], [sflag:$0x6] =	stream.indirect.gather.add.f32 [hbm:s6], $0x80, s8, s15, $0xb8;
	[tilespmem:$0x10400] =	vst v63  }
0x82: {  	_ =	swait.ge @!p1 [sflag:s9], $0x100  }
0x83: {  	[sflag:s9] =	ssyncset.done @!p1 $0x0  }
0x84: {  	s8 =	simm.s32 @!p1 $0x7;
	[sflag:s9] =	ssyncadd.s32 @!p1 $0xFFFFFF00  }
0x85: {  	_ =	swait.ge @!p1 [sflag:s8], $0x4000  }
0x86: {  	[sflag:s8] =	ssyncset.done @!p1 $0x0  }
0x87: {  	s9 =	simm.s32 @!p1 $0x8;
	[sflag:s8] =	ssyncadd.s32 @!p1 $0xFFFFC000  }
0x88: {  	[tilespmem:s0], [sflag:$0x7] =	stream.indirect.gather.add.f32 @!p1 [hbm:s6], $0x80, s3, s7, $0xb8;
	[tilespmem:$0x10400] =	vst v63  }
0x89: {  	_ =	swait.ge @!p1 [sflag:s9], $0x4000  }
0x8a: {  	[sflag:s9] =	ssyncset.done @!p1 $0x0  }
0x8b: {  	s3 =	simm.s32 @!p1 $0x380;
	[sflag:s9] =	ssyncadd.s32 @!p1 $0xFFFFC000  }
0x8c: {  	[tilespmem:s31], [sflag:$0x8] =	stream.indirect.gather.add.f32 @!p1 [hbm:s6], $0x80, s3, s7, $0xb8;
	[tilespmem:$0x10400] =	vst v63  }
0x8d: {  	_ =	swait.ge [sflag:s14], $0x4000  }
0x8e: {  	[sflag:s14] =	ssyncset.done $0x0  }
0x8f: {  	s29 =	sadd.s32 s29, s10;
	[sflag:s14] =	ssyncadd.s32 $0xFFFFC000  }
0x90: {  	[hbm4b:s29+s1] =	stream.linear.scatter [tilespmem:s16], [sflag:$0x9], $0x4000, $0x38;
	[tilespmem:$0x10400] =	vst v63  }
0x91: {  	_ =	swait.ge [sflag:s17], $0x4000  }
0x92: {  	[sflag:s17] =	ssyncset.done $0x0  }
0x93: {  	s3 =	sadd.s32 $0x800, s29;
	[sflag:s17] =	ssyncadd.s32 $0xFFFFC000  }
0x94: {  	[hbm4b:s3+s1] =	stream.linear.scatter [tilespmem:s18], [sflag:$0xA], $0x4000, $0x38;
	[tilespmem:$0x10400] =	vst v63  }
0x95: {  	_ =	swait.ge @!p1 [sflag:s8], $0x4000  }
0x96: {  	[sflag:s8] =	ssyncset.done @!p1 $0x0  }
0x97: {  	[sflag:s8] =	ssyncadd.s32 @!p1 $0xFFFFC000  }
0x98: {  	[hbm4b:s28+s30] =	stream.linear.scatter @!p1 [tilespmem:s0], [sflag:$0xB], $0x4000, $0x38;
	[tilespmem:$0x10400] =	vst v63  }
0x99: {  	_ =	swait.ge @!p1 [sflag:s9], $0x4000  }
0x9a: {  	[sflag:s9] =	ssyncset.done @!p1 $0x0  }
0x9b: {  	s0 =	simm.s32 @!p1 $0x9;
	[sflag:s9] =	ssyncadd.s32 @!p1 $0xFFFFC000  }
0x9c: {  	[hbm4b:s26+s30] =	stream.linear.scatter @!p1 [tilespmem:s31], [sflag:$0xC], $0x4000, $0x38;
	[tilespmem:$0x10400] =	vst v63  }
0x9d: {  	_ =	swait.ge @!p1 [sflag:s0], $0x4000  }
0x9e: {  	[sflag:s0] =	ssyncset.done @!p1 $0x0  }
0x9f: {  	s3 =	simm.s32 @!p1 $0xA;
	[sflag:s0] =	ssyncadd.s32 @!p1 $0xFFFFC000  }
0xa0: {  	s20 =	sadd.s32 $0x40000, s20;
	_ =	swait.ge @!p1 [sflag:s3], $0x4000  }
0xa1: {  	p0 =	sne.s32 s20, $0x500000;
	s25 =	simm.s32 @!p1 $0xB;
	[sflag:s3] =	ssyncset.done @!p1 $0x0  }
.Ltmp0:
0xa2: {  	s25 =	simm.s32 @p1 $0x9;
	[sflag:s3] =	ssyncadd.s32 @!p1 $0xFFFFC000;
	(pc) =	sbr.rel @p0 .LBB2_2-.Ltmp0, $4  }
0xa3: {  	_ =	swait.ge [sflag:s25], $0x4000  }
0xa4: {  	s24 =	simm.s32 @!p1 $0xC;
	[sflag:s25] =	ssyncset.done $0x0  }
0xa5: {  	s24 =	simm.s32 @p1 $0xA;
	[sflag:s25] =	ssyncadd.s32 $0xFFFFC000  }
0xa6: {  	s21 =	sadd.s32 $0x40, s21;
	s22 =	sadd.s32 $0x800, s22;
	_ =	swait.ge [sflag:s24], $0x4000  }
0xa7: {  	s19 =	sadd.s32 $0x1, s19;
	s0 =	rddreg [dreg:$0x3]  }
0xa8: {  	p0 =	sne.s32 s19, s0  }
.Ltmp1:
0xa9: {  	_ = 	snop;
	(pc) =	sbr.rel @p0 .LBB2_1-.Ltmp1, $3  }
0xaa: {  	_ =	sdelay $0x1  }
0xab: {  	[sflag:s24] =	ssyncset.done $0x0  }
0xac: {  	[sflag:s24] =	ssyncadd.s32 $0xFFFFC000  }
0xad: {  	_ =	sfence.sel $0x180000  }
0xae: {  	[bflag:$0x0] =	sbarrier.arrive $0xFFFF  }
0xaf: {  	_ =	strace $0x90000047  }
0xb0: {  	s0 =	stileid.u32;
	[bflag:$0x2] =	sbarrier.arrive $0xFFFF  }
0xb1: {  	p0 =	sne.s32 s0, $0x0;
	s0 =	rddreg [dreg:$0x1]  }
0xb2: {  	s0 =	sadd.s32 @!p0 $0x100000, s0  }
0xb3: {  	[sflag:s0] =	ssyncadd.tile.s32 @!p0 $0x1;
	_ =	shalt  }
.Lfunc_end2:
_tile_overlayer_lowered:
.L_overlay_start_2:
0xb4: {  	(tag) =	ssettag $0x2  }
0xb5: {  	s0 =	rddreg [dreg:$0x0];
	s2 =	stileid.u32  }
0xb6: {  	s1 =	rddreg [dreg:$0x1];
	p0 =	sne.s32 s2, $0x0  }
0xb7: {  	s3 =	rddreg [dreg:$0x2];
	[bflag:$0x3] =	sbarrier.arrive $0xFFFF;
	s2 =	simm.s32 @!p0 $0x1C0D  }
0xb8: {  	[timem:s3], [sflag:s2] =	dma.local @!p0 [hbm:s0], s1  }
0xb9: {  	s0 =	simm.s32 @!p0 $0xD  }
0xba: {  	_ =	swait.ge @!p0 [sflag:s0], s1  }
0xbb: {  	s1 =	ssub.s32 @!p0 $0x0, s1;
	[sflag:s0] =	ssyncset.done @!p0 $0x0  }
0xbc: {  	[sflag:s0] =	ssyncadd.s32 @!p0 s1  }
0xbd: {  	[bflag:$0x3] =	sbarrier.arrive $0xFFFF  }
0xbe: {  	_ =	shalt  }

</sc_bundles>
